<compile_context>
chip_gen: v7x
topology: tpu7x:2x2x1
jax: 0.10.2.dev20260603
libtpu: 0.0.44.dev20260713+nightly
codegen_flags: <defaults>
</compile_context>

<pallas_src>
import functools

import jax
import jax.numpy as jnp
from jax import lax
from jax.experimental import pallas as pl
from jax.experimental.pallas import tpu as pltpu
from jax.experimental.pallas import tpu_sc as plsc

_NE = 8
_K = 2
_AUX_COEF = 0.01
_NC = 2
_NS = 16
_LANES = 16
_NW = _NC * _NS


def _gate_body(x_ref, w_ref, lg_ref, *, tpw):
    x = x_ref[...]
    w = w_ref[...]
    logits = lax.dot_general(
        w, x, (((1,), (1,)), ((), ())), preferred_element_type=jnp.float32
    )
    for k in range(lg_ref.shape[0]):
        lg_ref[k] = logits[:, k * tpw:(k + 1) * tpw]


def _route_body(lg_hbm, rw_hbm, se_hbm, ps_hbm, cs_hbm,
                lg_v, rw_v, se_v, pc_v, *, tpw):
    c = lax.axis_index("c")
    s = lax.axis_index("s")
    wid = s * _NC + c

    pltpu.sync_copy(lg_hbm.at[wid], lg_v)

    zf = jnp.zeros((_LANES,), jnp.float32)
    lane = jnp.arange(_LANES, dtype=jnp.int32)

    def step(t, accs):
        ps, cs = accs
        off = t * _LANES
        l = [lg_v[e, pl.ds(off, _LANES)] for e in range(_NE)]
        m = l[0]
        for e in range(1, _NE):
            m = jnp.maximum(m, l[e])
        ex = [jnp.exp(l[e] - m) for e in range(_NE)]
        ssum = ex[0]
        for e in range(1, _NE):
            ssum = ssum + ex[e]
        inv = 1.0 / ssum

        bv = ex[0]
        bi = jnp.zeros((_LANES,), jnp.int32)
        bv2 = jnp.full((_LANES,), -1.0, jnp.float32)
        bi2 = jnp.zeros((_LANES,), jnp.int32)
        for e in range(1, _NE):
            x = ex[e]
            gt1 = x > bv
            gt2 = x > bv2
            bv2 = jnp.where(gt1, bv, jnp.where(gt2, x, bv2))
            bi2 = jnp.where(gt1, bi, jnp.where(gt2, e, bi2))
            bv = jnp.where(gt1, x, bv)
            bi = jnp.where(gt1, e, bi)

        invt = 1.0 / (bv + bv2)
        rw_v[0, pl.ds(off, _LANES)] = bv * invt
        rw_v[1, pl.ds(off, _LANES)] = bv2 * invt
        se_v[0, pl.ds(off, _LANES)] = bi
        se_v[1, pl.ds(off, _LANES)] = bi2

        ps = [ps[e] + ex[e] * inv for e in range(_NE)]
        cs = [cs[e]
              + jnp.where(bi == e, 1.0, 0.0)
              + jnp.where(bi2 == e, 1.0, 0.0)
              for e in range(_NE)]
        return ps, cs

    ps, cs = lax.fori_loop(
        0, 1, step,
        ([zf for _ in range(_NE)], [zf for _ in range(_NE)]),
    )

    pltpu.sync_copy(rw_v, rw_hbm.at[wid])
    pltpu.sync_copy(se_v, se_hbm.at[wid])
    for e in range(_NE):
        pc_v[e, :] = ps[e]
    pltpu.sync_copy(pc_v, ps_hbm.at[wid])
    for e in range(_NE):
        pc_v[e, :] = cs[e]
    pltpu.sync_copy(pc_v, cs_hbm.at[wid])


def kernel(hidden_states, W_gate):
    b, sq, d = hidden_states.shape
    ntok = b * sq
    x = hidden_states.reshape(ntok, d)
    tpw = ntok // _NW

    T = 2048
    grid = ntok // T
    wpb = T // tpw

    logits = pl.pallas_call(
        functools.partial(_gate_body, tpw=tpw),
        grid=(grid,),
        in_specs=[
            pl.BlockSpec((T, d), lambda i: (i, 0)),
            pl.BlockSpec((_NE, d), lambda i: (0, 0)),
        ],
        out_specs=pl.BlockSpec((wpb, _NE, tpw), lambda i: (i, 0, 0)),
        out_shape=jax.ShapeDtypeStruct((_NW, _NE, tpw), jnp.float32),
        compiler_params=pltpu.CompilerParams(
            dimension_semantics=("arbitrary",),
        ),
    )(x, W_gate)

    mesh = plsc.VectorSubcoreMesh(
        core_axis_name="c", subcore_axis_name="s",
        num_cores=_NC, num_subcores=_NS,
    )
    rw3, se3, psp, csp = pl.kernel(
        functools.partial(_route_body, tpw=tpw),
        out_type=[
            jax.ShapeDtypeStruct((_NW, _K, tpw), jnp.float32),
            jax.ShapeDtypeStruct((_NW, _K, tpw), jnp.int32),
            jax.ShapeDtypeStruct((_NW, _NE, _LANES), jnp.float32),
            jax.ShapeDtypeStruct((_NW, _NE, _LANES), jnp.float32),
        ],
        mesh=mesh,
        scratch_types=[
            pltpu.VMEM((_NE, tpw), jnp.float32),
            pltpu.VMEM((_K, tpw), jnp.float32),
            pltpu.VMEM((_K, tpw), jnp.int32),
            pltpu.VMEM((_NE, _LANES), jnp.float32),
        ],
    )(logits)

    rw = rw3.transpose(0, 2, 1).reshape(b, sq, _K)
    se = se3.transpose(0, 2, 1).reshape(b, sq, _K)

    router_frac = psp.sum(axis=(0, 2)) * (1.0 / ntok)
    expert_frac = csp.sum(axis=(0, 2)) * (1.0 / (ntok * _K))
    aux = (_NE * _AUX_COEF) * jnp.sum(router_frac * expert_frac)
    return rw, se, aux

# --- scband reference (transcript-rebuilt; emitter-appended) ---
"""Pipeline reference for scband-router-6992206758359 (READ-ONLY COPY).

The authoritative reference and input builder live on the scoring server;
editing this copy changes nothing except your own understanding.
"""

import jax, jax.numpy as jnp
import numpy as np

NUM_EXPERTS = 8
TOP_K = 2
AUX_COEF = 0.01

def setup_inputs(seed: int = 0) -> dict:
    key = jax.random.key(seed)
    k1, k2 = jax.random.split(key)
    hidden_states = jax.random.normal(k1, (4, 8192, 2048), dtype=jnp.float32)
    # nn.Linear(hidden_size, num_experts, bias=False) weight: [num_experts, hidden_size]
    W_gate = jax.random.normal(k2, (NUM_EXPERTS, 2048), dtype=jnp.float32) * 0.02
    return {"hidden_states": hidden_states, "W_gate": W_gate}

def reference(hidden_states, W_gate):
    # gate linear (no bias); routing_temp == 1.0 so no scaling
    router_logits = jnp.einsum('bsd,ed->bse', hidden_states, W_gate)
    router_probs = jax.nn.softmax(router_logits, axis=-1)
    routing_weights, selected_experts = jax.lax.top_k(router_probs, TOP_K)
    routing_weights = routing_weights / jnp.sum(routing_weights, axis=-1, keepdims=True)
    # load-balance aux loss
    num_tokens = router_probs.shape[0] * router_probs.shape[1]
    expert_mask = jnp.sum(jax.nn.one_hot(selected_experts, NUM_EXPERTS, dtype=jnp.float32), axis=2)
    expert_frac = jnp.sum(expert_mask, axis=(0, 1)) / (num_tokens * TOP_K)
    router_frac = jnp.mean(router_probs, axis=(0, 1))
    aux_loss = NUM_EXPERTS * jnp.sum(expert_frac * router_frac) * AUX_COEF
    return routing_weights, selected_experts, aux_loss

if __name__ == "__main__":
    import jax
    _d = setup_inputs()
    print(jax.jit(kernel)(*tuple(_d.values())))

</pallas_src>

<mosaic_0001>
#map = affine_map<(d0, d1) -> (0, 0, 0)>
module attributes {stable_mosaic.version = 14 : i64} {
  func.func @_route_body(%arg0: i32, %arg1: i32, %arg2: memref<32x8x1024xf32, #tpu.memory_space<hbm>>, %arg3: memref<32x2x1024xf32, #tpu.memory_space<hbm>>, %arg4: memref<32x2x1024xi32, #tpu.memory_space<hbm>>, %arg5: memref<32x8x16xf32, #tpu.memory_space<hbm>>, %arg6: memref<32x8x16xf32, #tpu.memory_space<hbm>>, %arg7: memref<8x1024xf32, #tpu.memory_space<vmem>>, %arg8: memref<2x1024xf32, #tpu.memory_space<vmem>>, %arg9: memref<2x1024xi32, #tpu.memory_space<vmem>>, %arg10: memref<8x16xf32, #tpu.memory_space<vmem>>) attributes {dimension_semantics = [#tpu.dimension_semantics<core_parallel>, #tpu.dimension_semantics<subcore_parallel>], iteration_bounds = array<i64: 2, 16>, scalar_prefetch = 0 : i64, scratch_operands = 4 : i64, tpu.core_type = #tpu.core_type<sc_vector_subcore>, window_params = [{transform_indices = #map}, {transform_indices = #map}, {transform_indices = #map}, {transform_indices = #map}, {transform_indices = #map}]} {
    %mul3A = arith.constant 2 : i32
    %mul3A_0 = arith.muli %arg1, %mul3A : i32
    %add3A = arith.addi %mul3A_0, %arg0 : i32
    "tpu.region"() ({
      %run_scoped3A = tpu.sem_alloc : memref<!tpu.dma_semaphore, #tpu.memory_space<semaphore_mem>>
      %dma_start3A = arith.constant 0 : i32
      %dma_start3A_444 = arith.constant 0 : i32
      %dma_start3A_445 = tpu.memref_slice %arg2[%add3A, %dma_start3A, %dma_start3A_444] : memref<32x8x1024xf32, #tpu.memory_space<hbm>> -> memref<1x8x1024xf32, #tpu.memory_space<hbm>>
      %dma_start3A_446 = tpu.memref_squeeze %dma_start3A_445 : memref<1x8x1024xf32, #tpu.memory_space<hbm>> -> memref<8x1024xf32, #tpu.memory_space<hbm>>
      %dma_start3A_447 = arith.constant 0 : i32
      %dma_start3A_448 = arith.constant 0 : i32
      %dma_start3A_449 = tpu.memref_slice %arg2[%add3A, %dma_start3A_447, %dma_start3A_448] : memref<32x8x1024xf32, #tpu.memory_space<hbm>> -> memref<1x8x1024xf32, #tpu.memory_space<hbm>>
      %dma_start3A_450 = tpu.memref_squeeze %dma_start3A_449 : memref<1x8x1024xf32, #tpu.memory_space<hbm>> -> memref<8x1024xf32, #tpu.memory_space<hbm>>
      tpu.enqueue_dma source(%dma_start3A_450 : memref<8x1024xf32, #tpu.memory_space<hbm>>) target(%arg7 : memref<8x1024xf32, #tpu.memory_space<vmem>>) target_semaphore(%run_scoped3A : memref<!tpu.dma_semaphore, #tpu.memory_space<semaphore_mem>>)
      %dma_wait3A = arith.constant 0 : i32
      %dma_wait3A_451 = arith.constant 0 : i32
      %dma_wait3A_452 = tpu.memref_slice %arg2[%add3A, %dma_wait3A, %dma_wait3A_451] : memref<32x8x1024xf32, #tpu.memory_space<hbm>> -> memref<1x8x1024xf32, #tpu.memory_space<hbm>>
      %dma_wait3A_453 = tpu.memref_squeeze %dma_wait3A_452 : memref<1x8x1024xf32, #tpu.memory_space<hbm>> -> memref<8x1024xf32, #tpu.memory_space<hbm>>
      %dma_wait3A_454 = arith.constant 0 : i32
      %dma_wait3A_455 = arith.constant 0 : i32
      %dma_wait3A_456 = tpu.memref_slice %arg2[%add3A, %dma_wait3A_454, %dma_wait3A_455] : memref<32x8x1024xf32, #tpu.memory_space<hbm>> -> memref<1x8x1024xf32, #tpu.memory_space<hbm>>
      %dma_wait3A_457 = tpu.memref_squeeze %dma_wait3A_456 : memref<1x8x1024xf32, #tpu.memory_space<hbm>> -> memref<8x1024xf32, #tpu.memory_space<hbm>>
      tpu.wait_dma2 semaphore(%run_scoped3A : memref<!tpu.dma_semaphore, #tpu.memory_space<semaphore_mem>>) src(%dma_wait3A_457 : memref<8x1024xf32, #tpu.memory_space<hbm>>) dst(%arg7 : memref<8x1024xf32, #tpu.memory_space<vmem>>)
      tpu.yield
    }) : () -> ()
    %broadcast_in_dim3A = arith.constant 0.000000e+00 : f32
    %broadcast_in_dim3A_1 = vector.broadcast %broadcast_in_dim3A : f32 to vector<16xf32>
    %iota3A = tpu.iota {dimensions = array<i32: 0>} : vector<16xi32>
    %scan3A = arith.constant 0 : i32
    %mul3A_2 = arith.constant 16 : i32
    %mul3A_3 = arith.muli %scan3A, %mul3A_2 : i32
    %get3A = arith.constant 0 : i32
    %get3A_4 = arith.index_cast %get3A : i32 to index
    %get3A_5 = arith.index_cast %mul3A_3 : i32 to index
    %get3A_6 = tpu.vector_load %arg7[%get3A_4, %get3A_5] {strides = array<i32>} : memref<8x1024xf32, #tpu.memory_space<vmem>>, vector<1x16xf32>,
    %get3A_7 = vector.shape_cast %get3A_6 : vector<1x16xf32> to vector<16xf32>
    %get3A_8 = arith.constant 1 : i32
    %get3A_9 = arith.index_cast %get3A_8 : i32 to index
    %get3A_10 = arith.index_cast %mul3A_3 : i32 to index
    %get3A_11 = tpu.vector_load %arg7[%get3A_9, %get3A_10] {strides = array<i32>} : memref<8x1024xf32, #tpu.memory_space<vmem>>, vector<1x16xf32>,
    %get3A_12 = vector.shape_cast %get3A_11 : vector<1x16xf32> to vector<16xf32>
    %get3A_13 = arith.constant 2 : i32
    %get3A_14 = arith.index_cast %get3A_13 : i32 to index
    %get3A_15 = arith.index_cast %mul3A_3 : i32 to index
    %get3A_16 = tpu.vector_load %arg7[%get3A_14, %get3A_15] {strides = array<i32>} : memref<8x1024xf32, #tpu.memory_space<vmem>>, vector<1x16xf32>,
    %get3A_17 = vector.shape_cast %get3A_16 : vector<1x16xf32> to vector<16xf32>
    %get3A_18 = arith.constant 3 : i32
    %get3A_19 = arith.index_cast %get3A_18 : i32 to index
    %get3A_20 = arith.index_cast %mul3A_3 : i32 to index
    %get3A_21 = tpu.vector_load %arg7[%get3A_19, %get3A_20] {strides = array<i32>} : memref<8x1024xf32, #tpu.memory_space<vmem>>, vector<1x16xf32>,
    %get3A_22 = vector.shape_cast %get3A_21 : vector<1x16xf32> to vector<16xf32>
    %get3A_23 = arith.constant 4 : i32
    %get3A_24 = arith.index_cast %get3A_23 : i32 to index
    %get3A_25 = arith.index_cast %mul3A_3 : i32 to index
    %get3A_26 = tpu.vector_load %arg7[%get3A_24, %get3A_25] {strides = array<i32>} : memref<8x1024xf32, #tpu.memory_space<vmem>>, vector<1x16xf32>,
    %get3A_27 = vector.shape_cast %get3A_26 : vector<1x16xf32> to vector<16xf32>
    %get3A_28 = arith.constant 5 : i32
    %get3A_29 = arith.index_cast %get3A_28 : i32 to index
    %get3A_30 = arith.index_cast %mul3A_3 : i32 to index
    %get3A_31 = tpu.vector_load %arg7[%get3A_29, %get3A_30] {strides = array<i32>} : memref<8x1024xf32, #tpu.memory_space<vmem>>, vector<1x16xf32>,
    %get3A_32 = vector.shape_cast %get3A_31 : vector<1x16xf32> to vector<16xf32>
    %get3A_33 = arith.constant 6 : i32
    %get3A_34 = arith.index_cast %get3A_33 : i32 to index
    %get3A_35 = arith.index_cast %mul3A_3 : i32 to index
    %get3A_36 = tpu.vector_load %arg7[%get3A_34, %get3A_35] {strides = array<i32>} : memref<8x1024xf32, #tpu.memory_space<vmem>>, vector<1x16xf32>,
    %get3A_37 = vector.shape_cast %get3A_36 : vector<1x16xf32> to vector<16xf32>
    %get3A_38 = arith.constant 7 : i32
    %get3A_39 = arith.index_cast %get3A_38 : i32 to index
    %get3A_40 = arith.index_cast %mul3A_3 : i32 to index
    %get3A_41 = tpu.vector_load %arg7[%get3A_39, %get3A_40] {strides = array<i32>} : memref<8x1024xf32, #tpu.memory_space<vmem>>, vector<1x16xf32>,
    %get3A_42 = vector.shape_cast %get3A_41 : vector<1x16xf32> to vector<16xf32>
    %max3A = arith.maximumf %get3A_7, %get3A_12 : vector<16xf32>
    %max3A_43 = arith.maximumf %max3A, %get3A_17 : vector<16xf32>
    %max3A_44 = arith.maximumf %max3A_43, %get3A_22 : vector<16xf32>
    %max3A_45 = arith.maximumf %max3A_44, %get3A_27 : vector<16xf32>
    %max3A_46 = arith.maximumf %max3A_45, %get3A_32 : vector<16xf32>
    %max3A_47 = arith.maximumf %max3A_46, %get3A_37 : vector<16xf32>
    %max3A_48 = arith.maximumf %max3A_47, %get3A_42 : vector<16xf32>
    %sub3A = arith.subf %get3A_7, %max3A_48 : vector<16xf32>
    %exp3A = math.exp %sub3A : vector<16xf32>
    %sub3A_49 = arith.subf %get3A_12, %max3A_48 : vector<16xf32>
    %exp3A_50 = math.exp %sub3A_49 : vector<16xf32>
    %sub3A_51 = arith.subf %get3A_17, %max3A_48 : vector<16xf32>
    %exp3A_52 = math.exp %sub3A_51 : vector<16xf32>
    %sub3A_53 = arith.subf %get3A_22, %max3A_48 : vector<16xf32>
    %exp3A_54 = math.exp %sub3A_53 : vector<16xf32>
    %sub3A_55 = arith.subf %get3A_27, %max3A_48 : vector<16xf32>
    %exp3A_56 = math.exp %sub3A_55 : vector<16xf32>
    %sub3A_57 = arith.subf %get3A_32, %max3A_48 : vector<16xf32>
    %exp3A_58 = math.exp %sub3A_57 : vector<16xf32>
    %sub3A_59 = arith.subf %get3A_37, %max3A_48 : vector<16xf32>
    %exp3A_60 = math.exp %sub3A_59 : vector<16xf32>
    %sub3A_61 = arith.subf %get3A_42, %max3A_48 : vector<16xf32>
    %exp3A_62 = math.exp %sub3A_61 : vector<16xf32>
    %add3A_63 = arith.addf %exp3A, %exp3A_50 : vector<16xf32>
    %add3A_64 = arith.addf %add3A_63, %exp3A_52 : vector<16xf32>
    %add3A_65 = arith.addf %add3A_64, %exp3A_54 : vector<16xf32>
    %add3A_66 = arith.addf %add3A_65, %exp3A_56 : vector<16xf32>
    %add3A_67 = arith.addf %add3A_66, %exp3A_58 : vector<16xf32>
    %add3A_68 = arith.addf %add3A_67, %exp3A_60 : vector<16xf32>
    %add3A_69 = arith.addf %add3A_68, %exp3A_62 : vector<16xf32>
    %div3A = arith.constant 1.000000e+00 : f32
    %div3A_70 = vector.broadcast %div3A : f32 to vector<16xf32>
    %div3A_71 = arith.divf %div3A_70, %add3A_69 : vector<16xf32>
    %broadcast_in_dim3A_72 = arith.constant 0 : i32
    %broadcast_in_dim3A_73 = vector.broadcast %broadcast_in_dim3A_72 : i32 to vector<16xi32>
    %broadcast_in_dim3A_74 = arith.constant -1.000000e+00 : f32
    %broadcast_in_dim3A_75 = vector.broadcast %broadcast_in_dim3A_74 : f32 to vector<16xf32>
    %broadcast_in_dim3A_76 = arith.constant 0 : i32
    %broadcast_in_dim3A_77 = vector.broadcast %broadcast_in_dim3A_76 : i32 to vector<16xi32>
    %gt3A = arith.cmpf ogt, %exp3A_50, %exp3A : vector<16xf32>
    %gt3A_78 = arith.cmpf ogt, %exp3A_50, %broadcast_in_dim3A_75 : vector<16xf32>
    %select_n3A = arith.select %gt3A_78, %exp3A_50, %broadcast_in_dim3A_75 : vector<16xi1>, vector<16xf32>
    %select_n3A_79 = arith.select %gt3A, %exp3A, %select_n3A : vector<16xi1>, vector<16xf32>
    %jit3A = arith.constant 1 : i32
    %broadcast_in_dim3A_80 = vector.broadcast %jit3A : i32 to vector<16xi32>
    %select_n3A_81 = arith.select %gt3A_78, %broadcast_in_dim3A_80, %broadcast_in_dim3A_77 : vector<16xi1>, vector<16xi32>
    %select_n3A_82 = arith.select %gt3A, %broadcast_in_dim3A_73, %select_n3A_81 : vector<16xi1>, vector<16xi32>
    %select_n3A_83 = arith.select %gt3A, %exp3A_50, %exp3A : vector<16xi1>, vector<16xf32>
    %jit3A_84 = arith.constant 1 : i32
    %broadcast_in_dim3A_85 = vector.broadcast %jit3A_84 : i32 to vector<16xi32>
    %select_n3A_86 = arith.select %gt3A, %broadcast_in_dim3A_85, %broadcast_in_dim3A_73 : vector<16xi1>, vector<16xi32>
    %gt3A_87 = arith.cmpf ogt, %exp3A_52, %select_n3A_83 : vector<16xf32>
    %gt3A_88 = arith.cmpf ogt, %exp3A_52, %select_n3A_79 : vector<16xf32>
    %select_n3A_89 = arith.select %gt3A_88, %exp3A_52, %select_n3A_79 : vector<16xi1>, vector<16xf32>
    %select_n3A_90 = arith.select %gt3A_87, %select_n3A_83, %select_n3A_89 : vector<16xi1>, vector<16xf32>
    %jit3A_91 = arith.constant 2 : i32
    %broadcast_in_dim3A_92 = vector.broadcast %jit3A_91 : i32 to vector<16xi32>
    %select_n3A_93 = arith.select %gt3A_88, %broadcast_in_dim3A_92, %select_n3A_82 : vector<16xi1>, vector<16xi32>
    %select_n3A_94 = arith.select %gt3A_87, %select_n3A_86, %select_n3A_93 : vector<16xi1>, vector<16xi32>
    %select_n3A_95 = arith.select %gt3A_87, %exp3A_52, %select_n3A_83 : vector<16xi1>, vector<16xf32>
    %jit3A_96 = arith.constant 2 : i32
    %broadcast_in_dim3A_97 = vector.broadcast %jit3A_96 : i32 to vector<16xi32>
    %select_n3A_98 = arith.select %gt3A_87, %broadcast_in_dim3A_97, %select_n3A_86 : vector<16xi1>, vector<16xi32>
    %gt3A_99 = arith.cmpf ogt, %exp3A_54, %select_n3A_95 : vector<16xf32>
    %gt3A_100 = arith.cmpf ogt, %exp3A_54, %select_n3A_90 : vector<16xf32>
    %select_n3A_101 = arith.select %gt3A_100, %exp3A_54, %select_n3A_90 : vector<16xi1>, vector<16xf32>
    %select_n3A_102 = arith.select %gt3A_99, %select_n3A_95, %select_n3A_101 : vector<16xi1>, vector<16xf32>
    %jit3A_103 = arith.constant 3 : i32
    %broadcast_in_dim3A_104 = vector.broadcast %jit3A_103 : i32 to vector<16xi32>
    %select_n3A_105 = arith.select %gt3A_100, %broadcast_in_dim3A_104, %select_n3A_94 : vector<16xi1>, vector<16xi32>
    %select_n3A_106 = arith.select %gt3A_99, %select_n3A_98, %select_n3A_105 : vector<16xi1>, vector<16xi32>
    %select_n3A_107 = arith.select %gt3A_99, %exp3A_54, %select_n3A_95 : vector<16xi1>, vector<16xf32>
    %jit3A_108 = arith.constant 3 : i32
    %broadcast_in_dim3A_109 = vector.broadcast %jit3A_108 : i32 to vector<16xi32>
    %select_n3A_110 = arith.select %gt3A_99, %broadcast_in_dim3A_109, %select_n3A_98 : vector<16xi1>, vector<16xi32>
    %gt3A_111 = arith.cmpf ogt, %exp3A_56, %select_n3A_107 : vector<16xf32>
    %gt3A_112 = arith.cmpf ogt, %exp3A_56, %select_n3A_102 : vector<16xf32>
    %select_n3A_113 = arith.select %gt3A_112, %exp3A_56, %select_n3A_102 : vector<16xi1>, vector<16xf32>
    %select_n3A_114 = arith.select %gt3A_111, %select_n3A_107, %select_n3A_113 : vector<16xi1>, vector<16xf32>
    %jit3A_115 = arith.constant 4 : i32
    %broadcast_in_dim3A_116 = vector.broadcast %jit3A_115 : i32 to vector<16xi32>
    %select_n3A_117 = arith.select %gt3A_112, %broadcast_in_dim3A_116, %select_n3A_106 : vector<16xi1>, vector<16xi32>
    %select_n3A_118 = arith.select %gt3A_111, %select_n3A_110, %select_n3A_117 : vector<16xi1>, vector<16xi32>
    %select_n3A_119 = arith.select %gt3A_111, %exp3A_56, %select_n3A_107 : vector<16xi1>, vector<16xf32>
    %jit3A_120 = arith.constant 4 : i32
    %broadcast_in_dim3A_121 = vector.broadcast %jit3A_120 : i32 to vector<16xi32>
    %select_n3A_122 = arith.select %gt3A_111, %broadcast_in_dim3A_121, %select_n3A_110 : vector<16xi1>, vector<16xi32>
    %gt3A_123 = arith.cmpf ogt, %exp3A_58, %select_n3A_119 : vector<16xf32>
    %gt3A_124 = arith.cmpf ogt, %exp3A_58, %select_n3A_114 : vector<16xf32>
    %select_n3A_125 = arith.select %gt3A_124, %exp3A_58, %select_n3A_114 : vector<16xi1>, vector<16xf32>
    %select_n3A_126 = arith.select %gt3A_123, %select_n3A_119, %select_n3A_125 : vector<16xi1>, vector<16xf32>
    %jit3A_127 = arith.constant 5 : i32
    %broadcast_in_dim3A_128 = vector.broadcast %jit3A_127 : i32 to vector<16xi32>
    %select_n3A_129 = arith.select %gt3A_124, %broadcast_in_dim3A_128, %select_n3A_118 : vector<16xi1>, vector<16xi32>
    %select_n3A_130 = arith.select %gt3A_123, %select_n3A_122, %select_n3A_129 : vector<16xi1>, vector<16xi32>
    %select_n3A_131 = arith.select %gt3A_123, %exp3A_58, %select_n3A_119 : vector<16xi1>, vector<16xf32>
    %jit3A_132 = arith.constant 5 : i32
    %broadcast_in_dim3A_133 = vector.broadcast %jit3A_132 : i32 to vector<16xi32>
    %select_n3A_134 = arith.select %gt3A_123, %broadcast_in_dim3A_133, %select_n3A_122 : vector<16xi1>, vector<16xi32>
    %gt3A_135 = arith.cmpf ogt, %exp3A_60, %select_n3A_131 : vector<16xf32>
    %gt3A_136 = arith.cmpf ogt, %exp3A_60, %select_n3A_126 : vector<16xf32>
    %select_n3A_137 = arith.select %gt3A_136, %exp3A_60, %select_n3A_126 : vector<16xi1>, vector<16xf32>
    %select_n3A_138 = arith.select %gt3A_135, %select_n3A_131, %select_n3A_137 : vector<16xi1>, vector<16xf32>
    %jit3A_139 = arith.constant 6 : i32
    %broadcast_in_dim3A_140 = vector.broadcast %jit3A_139 : i32 to vector<16xi32>
    %select_n3A_141 = arith.select %gt3A_136, %broadcast_in_dim3A_140, %select_n3A_130 : vector<16xi1>, vector<16xi32>
    %select_n3A_142 = arith.select %gt3A_135, %select_n3A_134, %select_n3A_141 : vector<16xi1>, vector<16xi32>
    %select_n3A_143 = arith.select %gt3A_135, %exp3A_60, %select_n3A_131 : vector<16xi1>, vector<16xf32>
    %jit3A_144 = arith.constant 6 : i32
    %broadcast_in_dim3A_145 = vector.broadcast %jit3A_144 : i32 to vector<16xi32>
    %select_n3A_146 = arith.select %gt3A_135, %broadcast_in_dim3A_145, %select_n3A_134 : vector<16xi1>, vector<16xi32>
    %gt3A_147 = arith.cmpf ogt, %exp3A_62, %select_n3A_143 : vector<16xf32>
    %gt3A_148 = arith.cmpf ogt, %exp3A_62, %select_n3A_138 : vector<16xf32>
    %select_n3A_149 = arith.select %gt3A_148, %exp3A_62, %select_n3A_138 : vector<16xi1>, vector<16xf32>
    %select_n3A_150 = arith.select %gt3A_147, %select_n3A_143, %select_n3A_149 : vector<16xi1>, vector<16xf32>
    %jit3A_151 = arith.constant 7 : i32
    %broadcast_in_dim3A_152 = vector.broadcast %jit3A_151 : i32 to vector<16xi32>
    %select_n3A_153 = arith.select %gt3A_148, %broadcast_in_dim3A_152, %select_n3A_142 : vector<16xi1>, vector<16xi32>
    %select_n3A_154 = arith.select %gt3A_147, %select_n3A_146, %select_n3A_153 : vector<16xi1>, vector<16xi32>
    %select_n3A_155 = arith.select %gt3A_147, %exp3A_62, %select_n3A_143 : vector<16xi1>, vector<16xf32>
    %jit3A_156 = arith.constant 7 : i32
    %broadcast_in_dim3A_157 = vector.broadcast %jit3A_156 : i32 to vector<16xi32>
    %select_n3A_158 = arith.select %gt3A_147, %broadcast_in_dim3A_157, %select_n3A_146 : vector<16xi1>, vector<16xi32>
    %add3A_159 = arith.addf %select_n3A_155, %select_n3A_150 : vector<16xf32>
    %div3A_160 = arith.constant 1.000000e+00 : f32
    %div3A_161 = vector.broadcast %div3A_160 : f32 to vector<16xf32>
    %div3A_162 = arith.divf %div3A_161, %add3A_159 : vector<16xf32>
    %mul3A_163 = arith.mulf %select_n3A_155, %div3A_162 : vector<16xf32>
    %swap3A = arith.constant 0 : i32
    %swap3A_164 = arith.index_cast %swap3A : i32 to index
    %swap3A_165 = arith.index_cast %mul3A_3 : i32 to index
    %swap3A_166 = tpu.vector_load %arg8[%swap3A_164, %swap3A_165] {strides = array<i32>} : memref<2x1024xf32, #tpu.memory_space<vmem>>, vector<1x16xf32>,
    %swap3A_167 = vector.shape_cast %swap3A_166 : vector<1x16xf32> to vector<16xf32>
    %swap3A_168 = vector.shape_cast %mul3A_163 : vector<16xf32> to vector<1x16xf32>
    tpu.vector_store %arg8[%swap3A_164, %swap3A_165], %swap3A_168 {strides = array<i32>} : memref<2x1024xf32, #tpu.memory_space<vmem>>, vector<1x16xf32>,
    %mul3A_169 = arith.mulf %select_n3A_150, %div3A_162 : vector<16xf32>
    %swap3A_170 = arith.constant 1 : i32
    %swap3A_171 = arith.index_cast %swap3A_170 : i32 to index
    %swap3A_172 = arith.index_cast %mul3A_3 : i32 to index
    %swap3A_173 = tpu.vector_load %arg8[%swap3A_171, %swap3A_172] {strides = array<i32>} : memref<2x1024xf32, #tpu.memory_space<vmem>>, vector<1x16xf32>,
    %swap3A_174 = vector.shape_cast %swap3A_173 : vector<1x16xf32> to vector<16xf32>
    %swap3A_175 = vector.shape_cast %mul3A_169 : vector<16xf32> to vector<1x16xf32>
    tpu.vector_store %arg8[%swap3A_171, %swap3A_172], %swap3A_175 {strides = array<i32>} : memref<2x1024xf32, #tpu.memory_space<vmem>>, vector<1x16xf32>,
    %swap3A_176 = arith.constant 0 : i32
    %swap3A_177 = arith.index_cast %swap3A_176 : i32 to index
    %swap3A_178 = arith.index_cast %mul3A_3 : i32 to index
    %swap3A_179 = tpu.vector_load %arg9[%swap3A_177, %swap3A_178] {strides = array<i32>} : memref<2x1024xi32, #tpu.memory_space<vmem>>, vector<1x16xi32>,
    %swap3A_180 = vector.shape_cast %swap3A_179 : vector<1x16xi32> to vector<16xi32>
    %swap3A_181 = vector.shape_cast %select_n3A_158 : vector<16xi32> to vector<1x16xi32>
    tpu.vector_store %arg9[%swap3A_177, %swap3A_178], %swap3A_181 {strides = array<i32>} : memref<2x1024xi32, #tpu.memory_space<vmem>>, vector<1x16xi32>,
    %swap3A_182 = arith.constant 1 : i32
    %swap3A_183 = arith.index_cast %swap3A_182 : i32 to index
    %swap3A_184 = arith.index_cast %mul3A_3 : i32 to index
    %swap3A_185 = tpu.vector_load %arg9[%swap3A_183, %swap3A_184] {strides = array<i32>} : memref<2x1024xi32, #tpu.memory_space<vmem>>, vector<1x16xi32>,
    %swap3A_186 = vector.shape_cast %swap3A_185 : vector<1x16xi32> to vector<16xi32>
    %swap3A_187 = vector.shape_cast %select_n3A_154 : vector<16xi32> to vector<1x16xi32>
    tpu.vector_store %arg9[%swap3A_183, %swap3A_184], %swap3A_187 {strides = array<i32>} : memref<2x1024xi32, #tpu.memory_space<vmem>>, vector<1x16xi32>,
    %mul3A_188 = arith.mulf %exp3A, %div3A_71 : vector<16xf32>
    %add3A_189 = arith.addf %broadcast_in_dim3A_1, %mul3A_188 : vector<16xf32>
    %mul3A_190 = arith.mulf %exp3A_50, %div3A_71 : vector<16xf32>
    %add3A_191 = arith.addf %broadcast_in_dim3A_1, %mul3A_190 : vector<16xf32>
    %mul3A_192 = arith.mulf %exp3A_52, %div3A_71 : vector<16xf32>
    %add3A_193 = arith.addf %broadcast_in_dim3A_1, %mul3A_192 : vector<16xf32>
    %mul3A_194 = arith.mulf %exp3A_54, %div3A_71 : vector<16xf32>
    %add3A_195 = arith.addf %broadcast_in_dim3A_1, %mul3A_194 : vector<16xf32>
    %mul3A_196 = arith.mulf %exp3A_56, %div3A_71 : vector<16xf32>
    %add3A_197 = arith.addf %broadcast_in_dim3A_1, %mul3A_196 : vector<16xf32>
    %mul3A_198 = arith.mulf %exp3A_58, %div3A_71 : vector<16xf32>
    %add3A_199 = arith.addf %broadcast_in_dim3A_1, %mul3A_198 : vector<16xf32>
    %mul3A_200 = arith.mulf %exp3A_60, %div3A_71 : vector<16xf32>
    %add3A_201 = arith.addf %broadcast_in_dim3A_1, %mul3A_200 : vector<16xf32>
    %mul3A_202 = arith.mulf %exp3A_62, %div3A_71 : vector<16xf32>
    %add3A_203 = arith.addf %broadcast_in_dim3A_1, %mul3A_202 : vector<16xf32>
    %eq3A = arith.constant 0 : i32
    %eq3A_204 = vector.broadcast %eq3A : i32 to vector<16xi32>
    %eq3A_205 = arith.cmpi eq, %select_n3A_158, %eq3A_204 : vector<16xi32>
    %jit3A_206 = arith.constant 1.000000e+00 : f32
    %jit3A_207 = arith.constant 0.000000e+00 : f32
    %broadcast_in_dim3A_208 = vector.broadcast %jit3A_206 : f32 to vector<16xf32>
    %broadcast_in_dim3A_209 = vector.broadcast %jit3A_207 : f32 to vector<16xf32>
    %select_n3A_210 = arith.select %eq3A_205, %broadcast_in_dim3A_208, %broadcast_in_dim3A_209 : vector<16xi1>, vector<16xf32>
    %add3A_211 = arith.addf %broadcast_in_dim3A_1, %select_n3A_210 : vector<16xf32>
    %eq3A_212 = arith.constant 0 : i32
    %eq3A_213 = vector.broadcast %eq3A_212 : i32 to vector<16xi32>
    %eq3A_214 = arith.cmpi eq, %select_n3A_154, %eq3A_213 : vector<16xi32>
    %jit3A_215 = arith.constant 1.000000e+00 : f32
    %jit3A_216 = arith.constant 0.000000e+00 : f32
    %broadcast_in_dim3A_217 = vector.broadcast %jit3A_215 : f32 to vector<16xf32>
    %broadcast_in_dim3A_218 = vector.broadcast %jit3A_216 : f32 to vector<16xf32>
    %select_n3A_219 = arith.select %eq3A_214, %broadcast_in_dim3A_217, %broadcast_in_dim3A_218 : vector<16xi1>, vector<16xf32>
    %add3A_220 = arith.addf %add3A_211, %select_n3A_219 : vector<16xf32>
    %eq3A_221 = arith.constant 1 : i32
    %eq3A_222 = vector.broadcast %eq3A_221 : i32 to vector<16xi32>
    %eq3A_223 = arith.cmpi eq, %select_n3A_158, %eq3A_222 : vector<16xi32>
    %jit3A_224 = arith.constant 1.000000e+00 : f32
    %jit3A_225 = arith.constant 0.000000e+00 : f32
    %broadcast_in_dim3A_226 = vector.broadcast %jit3A_224 : f32 to vector<16xf32>
    %broadcast_in_dim3A_227 = vector.broadcast %jit3A_225 : f32 to vector<16xf32>
    %select_n3A_228 = arith.select %eq3A_223, %broadcast_in_dim3A_226, %broadcast_in_dim3A_227 : vector<16xi1>, vector<16xf32>
    %add3A_229 = arith.addf %broadcast_in_dim3A_1, %select_n3A_228 : vector<16xf32>
    %eq3A_230 = arith.constant 1 : i32
    %eq3A_231 = vector.broadcast %eq3A_230 : i32 to vector<16xi32>
    %eq3A_232 = arith.cmpi eq, %select_n3A_154, %eq3A_231 : vector<16xi32>
    %jit3A_233 = arith.constant 1.000000e+00 : f32
    %jit3A_234 = arith.constant 0.000000e+00 : f32
    %broadcast_in_dim3A_235 = vector.broadcast %jit3A_233 : f32 to vector<16xf32>
    %broadcast_in_dim3A_236 = vector.broadcast %jit3A_234 : f32 to vector<16xf32>
    %select_n3A_237 = arith.select %eq3A_232, %broadcast_in_dim3A_235, %broadcast_in_dim3A_236 : vector<16xi1>, vector<16xf32>
    %add3A_238 = arith.addf %add3A_229, %select_n3A_237 : vector<16xf32>
    %eq3A_239 = arith.constant 2 : i32
    %eq3A_240 = vector.broadcast %eq3A_239 : i32 to vector<16xi32>
    %eq3A_241 = arith.cmpi eq, %select_n3A_158, %eq3A_240 : vector<16xi32>
    %jit3A_242 = arith.constant 1.000000e+00 : f32
    %jit3A_243 = arith.constant 0.000000e+00 : f32
    %broadcast_in_dim3A_244 = vector.broadcast %jit3A_242 : f32 to vector<16xf32>
    %broadcast_in_dim3A_245 = vector.broadcast %jit3A_243 : f32 to vector<16xf32>
    %select_n3A_246 = arith.select %eq3A_241, %broadcast_in_dim3A_244, %broadcast_in_dim3A_245 : vector<16xi1>, vector<16xf32>
    %add3A_247 = arith.addf %broadcast_in_dim3A_1, %select_n3A_246 : vector<16xf32>
    %eq3A_248 = arith.constant 2 : i32
    %eq3A_249 = vector.broadcast %eq3A_248 : i32 to vector<16xi32>
    %eq3A_250 = arith.cmpi eq, %select_n3A_154, %eq3A_249 : vector<16xi32>
    %jit3A_251 = arith.constant 1.000000e+00 : f32
    %jit3A_252 = arith.constant 0.000000e+00 : f32
    %broadcast_in_dim3A_253 = vector.broadcast %jit3A_251 : f32 to vector<16xf32>
    %broadcast_in_dim3A_254 = vector.broadcast %jit3A_252 : f32 to vector<16xf32>
    %select_n3A_255 = arith.select %eq3A_250, %broadcast_in_dim3A_253, %broadcast_in_dim3A_254 : vector<16xi1>, vector<16xf32>
    %add3A_256 = arith.addf %add3A_247, %select_n3A_255 : vector<16xf32>
    %eq3A_257 = arith.constant 3 : i32
    %eq3A_258 = vector.broadcast %eq3A_257 : i32 to vector<16xi32>
    %eq3A_259 = arith.cmpi eq, %select_n3A_158, %eq3A_258 : vector<16xi32>
    %jit3A_260 = arith.constant 1.000000e+00 : f32
    %jit3A_261 = arith.constant 0.000000e+00 : f32
    %broadcast_in_dim3A_262 = vector.broadcast %jit3A_260 : f32 to vector<16xf32>
    %broadcast_in_dim3A_263 = vector.broadcast %jit3A_261 : f32 to vector<16xf32>
    %select_n3A_264 = arith.select %eq3A_259, %broadcast_in_dim3A_262, %broadcast_in_dim3A_263 : vector<16xi1>, vector<16xf32>
    %add3A_265 = arith.addf %broadcast_in_dim3A_1, %select_n3A_264 : vector<16xf32>
    %eq3A_266 = arith.constant 3 : i32
    %eq3A_267 = vector.broadcast %eq3A_266 : i32 to vector<16xi32>
    %eq3A_268 = arith.cmpi eq, %select_n3A_154, %eq3A_267 : vector<16xi32>
    %jit3A_269 = arith.constant 1.000000e+00 : f32
    %jit3A_270 = arith.constant 0.000000e+00 : f32
    %broadcast_in_dim3A_271 = vector.broadcast %jit3A_269 : f32 to vector<16xf32>
    %broadcast_in_dim3A_272 = vector.broadcast %jit3A_270 : f32 to vector<16xf32>
    %select_n3A_273 = arith.select %eq3A_268, %broadcast_in_dim3A_271, %broadcast_in_dim3A_272 : vector<16xi1>, vector<16xf32>
    %add3A_274 = arith.addf %add3A_265, %select_n3A_273 : vector<16xf32>
    %eq3A_275 = arith.constant 4 : i32
    %eq3A_276 = vector.broadcast %eq3A_275 : i32 to vector<16xi32>
    %eq3A_277 = arith.cmpi eq, %select_n3A_158, %eq3A_276 : vector<16xi32>
    %jit3A_278 = arith.constant 1.000000e+00 : f32
    %jit3A_279 = arith.constant 0.000000e+00 : f32
    %broadcast_in_dim3A_280 = vector.broadcast %jit3A_278 : f32 to vector<16xf32>
    %broadcast_in_dim3A_281 = vector.broadcast %jit3A_279 : f32 to vector<16xf32>
    %select_n3A_282 = arith.select %eq3A_277, %broadcast_in_dim3A_280, %broadcast_in_dim3A_281 : vector<16xi1>, vector<16xf32>
    %add3A_283 = arith.addf %broadcast_in_dim3A_1, %select_n3A_282 : vector<16xf32>
    %eq3A_284 = arith.constant 4 : i32
    %eq3A_285 = vector.broadcast %eq3A_284 : i32 to vector<16xi32>
    %eq3A_286 = arith.cmpi eq, %select_n3A_154, %eq3A_285 : vector<16xi32>
    %jit3A_287 = arith.constant 1.000000e+00 : f32
    %jit3A_288 = arith.constant 0.000000e+00 : f32
    %broadcast_in_dim3A_289 = vector.broadcast %jit3A_287 : f32 to vector<16xf32>
    %broadcast_in_dim3A_290 = vector.broadcast %jit3A_288 : f32 to vector<16xf32>
    %select_n3A_291 = arith.select %eq3A_286, %broadcast_in_dim3A_289, %broadcast_in_dim3A_290 : vector<16xi1>, vector<16xf32>
    %add3A_292 = arith.addf %add3A_283, %select_n3A_291 : vector<16xf32>
    %eq3A_293 = arith.constant 5 : i32
    %eq3A_294 = vector.broadcast %eq3A_293 : i32 to vector<16xi32>
    %eq3A_295 = arith.cmpi eq, %select_n3A_158, %eq3A_294 : vector<16xi32>
    %jit3A_296 = arith.constant 1.000000e+00 : f32
    %jit3A_297 = arith.constant 0.000000e+00 : f32
    %broadcast_in_dim3A_298 = vector.broadcast %jit3A_296 : f32 to vector<16xf32>
    %broadcast_in_dim3A_299 = vector.broadcast %jit3A_297 : f32 to vector<16xf32>
    %select_n3A_300 = arith.select %eq3A_295, %broadcast_in_dim3A_298, %broadcast_in_dim3A_299 : vector<16xi1>, vector<16xf32>
    %add3A_301 = arith.addf %broadcast_in_dim3A_1, %select_n3A_300 : vector<16xf32>
    %eq3A_302 = arith.constant 5 : i32
    %eq3A_303 = vector.broadcast %eq3A_302 : i32 to vector<16xi32>
    %eq3A_304 = arith.cmpi eq, %select_n3A_154, %eq3A_303 : vector<16xi32>
    %jit3A_305 = arith.constant 1.000000e+00 : f32
    %jit3A_306 = arith.constant 0.000000e+00 : f32
    %broadcast_in_dim3A_307 = vector.broadcast %jit3A_305 : f32 to vector<16xf32>
    %broadcast_in_dim3A_308 = vector.broadcast %jit3A_306 : f32 to vector<16xf32>
    %select_n3A_309 = arith.select %eq3A_304, %broadcast_in_dim3A_307, %broadcast_in_dim3A_308 : vector<16xi1>, vector<16xf32>
    %add3A_310 = arith.addf %add3A_301, %select_n3A_309 : vector<16xf32>
    %eq3A_311 = arith.constant 6 : i32
    %eq3A_312 = vector.broadcast %eq3A_311 : i32 to vector<16xi32>
    %eq3A_313 = arith.cmpi eq, %select_n3A_158, %eq3A_312 : vector<16xi32>
    %jit3A_314 = arith.constant 1.000000e+00 : f32
    %jit3A_315 = arith.constant 0.000000e+00 : f32
    %broadcast_in_dim3A_316 = vector.broadcast %jit3A_314 : f32 to vector<16xf32>
    %broadcast_in_dim3A_317 = vector.broadcast %jit3A_315 : f32 to vector<16xf32>
    %select_n3A_318 = arith.select %eq3A_313, %broadcast_in_dim3A_316, %broadcast_in_dim3A_317 : vector<16xi1>, vector<16xf32>
    %add3A_319 = arith.addf %broadcast_in_dim3A_1, %select_n3A_318 : vector<16xf32>
    %eq3A_320 = arith.constant 6 : i32
    %eq3A_321 = vector.broadcast %eq3A_320 : i32 to vector<16xi32>
    %eq3A_322 = arith.cmpi eq, %select_n3A_154, %eq3A_321 : vector<16xi32>
    %jit3A_323 = arith.constant 1.000000e+00 : f32
    %jit3A_324 = arith.constant 0.000000e+00 : f32
    %broadcast_in_dim3A_325 = vector.broadcast %jit3A_323 : f32 to vector<16xf32>
    %broadcast_in_dim3A_326 = vector.broadcast %jit3A_324 : f32 to vector<16xf32>
    %select_n3A_327 = arith.select %eq3A_322, %broadcast_in_dim3A_325, %broadcast_in_dim3A_326 : vector<16xi1>, vector<16xf32>
    %add3A_328 = arith.addf %add3A_319, %select_n3A_327 : vector<16xf32>
    %eq3A_329 = arith.constant 7 : i32
    %eq3A_330 = vector.broadcast %eq3A_329 : i32 to vector<16xi32>
    %eq3A_331 = arith.cmpi eq, %select_n3A_158, %eq3A_330 : vector<16xi32>
    %jit3A_332 = arith.constant 1.000000e+00 : f32
    %jit3A_333 = arith.constant 0.000000e+00 : f32
    %broadcast_in_dim3A_334 = vector.broadcast %jit3A_332 : f32 to vector<16xf32>
    %broadcast_in_dim3A_335 = vector.broadcast %jit3A_333 : f32 to vector<16xf32>
    %select_n3A_336 = arith.select %eq3A_331, %broadcast_in_dim3A_334, %broadcast_in_dim3A_335 : vector<16xi1>, vector<16xf32>
    %add3A_337 = arith.addf %broadcast_in_dim3A_1, %select_n3A_336 : vector<16xf32>
    %eq3A_338 = arith.constant 7 : i32
    %eq3A_339 = vector.broadcast %eq3A_338 : i32 to vector<16xi32>
    %eq3A_340 = arith.cmpi eq, %select_n3A_154, %eq3A_339 : vector<16xi32>
    %jit3A_341 = arith.constant 1.000000e+00 : f32
    %jit3A_342 = arith.constant 0.000000e+00 : f32
    %broadcast_in_dim3A_343 = vector.broadcast %jit3A_341 : f32 to vector<16xf32>
    %broadcast_in_dim3A_344 = vector.broadcast %jit3A_342 : f32 to vector<16xf32>
    %select_n3A_345 = arith.select %eq3A_340, %broadcast_in_dim3A_343, %broadcast_in_dim3A_344 : vector<16xi1>, vector<16xf32>
    %add3A_346 = arith.addf %add3A_337, %select_n3A_345 : vector<16xf32>
    %scan3A_347 = arith.constant 1 : i32
    "tpu.region"() ({
      %run_scoped3A = tpu.sem_alloc : memref<!tpu.dma_semaphore, #tpu.memory_space<semaphore_mem>>
      %dma_start3A = arith.constant 0 : i32
      %dma_start3A_444 = arith.constant 0 : i32
      %dma_start3A_445 = tpu.memref_slice %arg3[%add3A, %dma_start3A, %dma_start3A_444] : memref<32x2x1024xf32, #tpu.memory_space<hbm>> -> memref<1x2x1024xf32, #tpu.memory_space<hbm>>
      %dma_start3A_446 = tpu.memref_squeeze %dma_start3A_445 : memref<1x2x1024xf32, #tpu.memory_space<hbm>> -> memref<2x1024xf32, #tpu.memory_space<hbm>>
      %dma_start3A_447 = arith.constant 0 : i32
      %dma_start3A_448 = arith.constant 0 : i32
      %dma_start3A_449 = tpu.memref_slice %arg3[%add3A, %dma_start3A_447, %dma_start3A_448] : memref<32x2x1024xf32, #tpu.memory_space<hbm>> -> memref<1x2x1024xf32, #tpu.memory_space<hbm>>
      %dma_start3A_450 = tpu.memref_squeeze %dma_start3A_449 : memref<1x2x1024xf32, #tpu.memory_space<hbm>> -> memref<2x1024xf32, #tpu.memory_space<hbm>>
      tpu.enqueue_dma source(%arg8 : memref<2x1024xf32, #tpu.memory_space<vmem>>) target(%dma_start3A_450 : memref<2x1024xf32, #tpu.memory_space<hbm>>) target_semaphore(%run_scoped3A : memref<!tpu.dma_semaphore, #tpu.memory_space<semaphore_mem>>)
      %dma_wait3A = arith.constant 0 : i32
      %dma_wait3A_451 = arith.constant 0 : i32
      %dma_wait3A_452 = tpu.memref_slice %arg3[%add3A, %dma_wait3A, %dma_wait3A_451] : memref<32x2x1024xf32, #tpu.memory_space<hbm>> -> memref<1x2x1024xf32, #tpu.memory_space<hbm>>
      %dma_wait3A_453 = tpu.memref_squeeze %dma_wait3A_452 : memref<1x2x1024xf32, #tpu.memory_space<hbm>> -> memref<2x1024xf32, #tpu.memory_space<hbm>>
      %dma_wait3A_454 = arith.constant 0 : i32
      %dma_wait3A_455 = arith.constant 0 : i32
      %dma_wait3A_456 = tpu.memref_slice %arg3[%add3A, %dma_wait3A_454, %dma_wait3A_455] : memref<32x2x1024xf32, #tpu.memory_space<hbm>> -> memref<1x2x1024xf32, #tpu.memory_space<hbm>>
      %dma_wait3A_457 = tpu.memref_squeeze %dma_wait3A_456 : memref<1x2x1024xf32, #tpu.memory_space<hbm>> -> memref<2x1024xf32, #tpu.memory_space<hbm>>
      tpu.wait_dma2 semaphore(%run_scoped3A : memref<!tpu.dma_semaphore, #tpu.memory_space<semaphore_mem>>) src(%arg8 : memref<2x1024xf32, #tpu.memory_space<vmem>>) dst(%dma_wait3A_457 : memref<2x1024xf32, #tpu.memory_space<hbm>>)
      tpu.yield
    }) : () -> ()
    "tpu.region"() ({
      %run_scoped3A = tpu.sem_alloc : memref<!tpu.dma_semaphore, #tpu.memory_space<semaphore_mem>>
      %dma_start3A = arith.constant 0 : i32
      %dma_start3A_444 = arith.constant 0 : i32
      %dma_start3A_445 = tpu.memref_slice %arg4[%add3A, %dma_start3A, %dma_start3A_444] : memref<32x2x1024xi32, #tpu.memory_space<hbm>> -> memref<1x2x1024xi32, #tpu.memory_space<hbm>>
      %dma_start3A_446 = tpu.memref_squeeze %dma_start3A_445 : memref<1x2x1024xi32, #tpu.memory_space<hbm>> -> memref<2x1024xi32, #tpu.memory_space<hbm>>
      %dma_start3A_447 = arith.constant 0 : i32
      %dma_start3A_448 = arith.constant 0 : i32
      %dma_start3A_449 = tpu.memref_slice %arg4[%add3A, %dma_start3A_447, %dma_start3A_448] : memref<32x2x1024xi32, #tpu.memory_space<hbm>> -> memref<1x2x1024xi32, #tpu.memory_space<hbm>>
      %dma_start3A_450 = tpu.memref_squeeze %dma_start3A_449 : memref<1x2x1024xi32, #tpu.memory_space<hbm>> -> memref<2x1024xi32, #tpu.memory_space<hbm>>
      tpu.enqueue_dma source(%arg9 : memref<2x1024xi32, #tpu.memory_space<vmem>>) target(%dma_start3A_450 : memref<2x1024xi32, #tpu.memory_space<hbm>>) target_semaphore(%run_scoped3A : memref<!tpu.dma_semaphore, #tpu.memory_space<semaphore_mem>>)
      %dma_wait3A = arith.constant 0 : i32
      %dma_wait3A_451 = arith.constant 0 : i32
      %dma_wait3A_452 = tpu.memref_slice %arg4[%add3A, %dma_wait3A, %dma_wait3A_451] : memref<32x2x1024xi32, #tpu.memory_space<hbm>> -> memref<1x2x1024xi32, #tpu.memory_space<hbm>>
      %dma_wait3A_453 = tpu.memref_squeeze %dma_wait3A_452 : memref<1x2x1024xi32, #tpu.memory_space<hbm>> -> memref<2x1024xi32, #tpu.memory_space<hbm>>
      %dma_wait3A_454 = arith.constant 0 : i32
      %dma_wait3A_455 = arith.constant 0 : i32
      %dma_wait3A_456 = tpu.memref_slice %arg4[%add3A, %dma_wait3A_454, %dma_wait3A_455] : memref<32x2x1024xi32, #tpu.memory_space<hbm>> -> memref<1x2x1024xi32, #tpu.memory_space<hbm>>
      %dma_wait3A_457 = tpu.memref_squeeze %dma_wait3A_456 : memref<1x2x1024xi32, #tpu.memory_space<hbm>> -> memref<2x1024xi32, #tpu.memory_space<hbm>>
      tpu.wait_dma2 semaphore(%run_scoped3A : memref<!tpu.dma_semaphore, #tpu.memory_space<semaphore_mem>>) src(%arg9 : memref<2x1024xi32, #tpu.memory_space<vmem>>) dst(%dma_wait3A_457 : memref<2x1024xi32, #tpu.memory_space<hbm>>)
      tpu.yield
    }) : () -> ()
    %swap3A_348 = arith.constant 0 : i32
    %swap3A_349 = arith.index_cast %swap3A_348 : i32 to index
    %swap3A_350 = arith.constant 0 : index
    %swap3A_351 = tpu.vector_load %arg10[%swap3A_349, %swap3A_350] {strides = array<i32>} : memref<8x16xf32, #tpu.memory_space<vmem>>, vector<1x16xf32>,
    %swap3A_352 = vector.shape_cast %swap3A_351 : vector<1x16xf32> to vector<16xf32>
    %swap3A_353 = vector.shape_cast %add3A_189 : vector<16xf32> to vector<1x16xf32>
    tpu.vector_store %arg10[%swap3A_349, %swap3A_350], %swap3A_353 {strides = array<i32>} : memref<8x16xf32, #tpu.memory_space<vmem>>, vector<1x16xf32>,
    %swap3A_354 = arith.constant 1 : i32
    %swap3A_355 = arith.index_cast %swap3A_354 : i32 to index
    %swap3A_356 = arith.constant 0 : index
    %swap3A_357 = tpu.vector_load %arg10[%swap3A_355, %swap3A_356] {strides = array<i32>} : memref<8x16xf32, #tpu.memory_space<vmem>>, vector<1x16xf32>,
    %swap3A_358 = vector.shape_cast %swap3A_357 : vector<1x16xf32> to vector<16xf32>
    %swap3A_359 = vector.shape_cast %add3A_191 : vector<16xf32> to vector<1x16xf32>
    tpu.vector_store %arg10[%swap3A_355, %swap3A_356], %swap3A_359 {strides = array<i32>} : memref<8x16xf32, #tpu.memory_space<vmem>>, vector<1x16xf32>,
    %swap3A_360 = arith.constant 2 : i32
    %swap3A_361 = arith.index_cast %swap3A_360 : i32 to index
    %swap3A_362 = arith.constant 0 : index
    %swap3A_363 = tpu.vector_load %arg10[%swap3A_361, %swap3A_362] {strides = array<i32>} : memref<8x16xf32, #tpu.memory_space<vmem>>, vector<1x16xf32>,
    %swap3A_364 = vector.shape_cast %swap3A_363 : vector<1x16xf32> to vector<16xf32>
    %swap3A_365 = vector.shape_cast %add3A_193 : vector<16xf32> to vector<1x16xf32>
    tpu.vector_store %arg10[%swap3A_361, %swap3A_362], %swap3A_365 {strides = array<i32>} : memref<8x16xf32, #tpu.memory_space<vmem>>, vector<1x16xf32>,
    %swap3A_366 = arith.constant 3 : i32
    %swap3A_367 = arith.index_cast %swap3A_366 : i32 to index
    %swap3A_368 = arith.constant 0 : index
    %swap3A_369 = tpu.vector_load %arg10[%swap3A_367, %swap3A_368] {strides = array<i32>} : memref<8x16xf32, #tpu.memory_space<vmem>>, vector<1x16xf32>,
    %swap3A_370 = vector.shape_cast %swap3A_369 : vector<1x16xf32> to vector<16xf32>
    %swap3A_371 = vector.shape_cast %add3A_195 : vector<16xf32> to vector<1x16xf32>
    tpu.vector_store %arg10[%swap3A_367, %swap3A_368], %swap3A_371 {strides = array<i32>} : memref<8x16xf32, #tpu.memory_space<vmem>>, vector<1x16xf32>,
    %swap3A_372 = arith.constant 4 : i32
    %swap3A_373 = arith.index_cast %swap3A_372 : i32 to index
    %swap3A_374 = arith.constant 0 : index
    %swap3A_375 = tpu.vector_load %arg10[%swap3A_373, %swap3A_374] {strides = array<i32>} : memref<8x16xf32, #tpu.memory_space<vmem>>, vector<1x16xf32>,
    %swap3A_376 = vector.shape_cast %swap3A_375 : vector<1x16xf32> to vector<16xf32>
    %swap3A_377 = vector.shape_cast %add3A_197 : vector<16xf32> to vector<1x16xf32>
    tpu.vector_store %arg10[%swap3A_373, %swap3A_374], %swap3A_377 {strides = array<i32>} : memref<8x16xf32, #tpu.memory_space<vmem>>, vector<1x16xf32>,
    %swap3A_378 = arith.constant 5 : i32
    %swap3A_379 = arith.index_cast %swap3A_378 : i32 to index
    %swap3A_380 = arith.constant 0 : index
    %swap3A_381 = tpu.vector_load %arg10[%swap3A_379, %swap3A_380] {strides = array<i32>} : memref<8x16xf32, #tpu.memory_space<vmem>>, vector<1x16xf32>,
    %swap3A_382 = vector.shape_cast %swap3A_381 : vector<1x16xf32> to vector<16xf32>
    %swap3A_383 = vector.shape_cast %add3A_199 : vector<16xf32> to vector<1x16xf32>
    tpu.vector_store %arg10[%swap3A_379, %swap3A_380], %swap3A_383 {strides = array<i32>} : memref<8x16xf32, #tpu.memory_space<vmem>>, vector<1x16xf32>,
    %swap3A_384 = arith.constant 6 : i32
    %swap3A_385 = arith.index_cast %swap3A_384 : i32 to index
    %swap3A_386 = arith.constant 0 : index
    %swap3A_387 = tpu.vector_load %arg10[%swap3A_385, %swap3A_386] {strides = array<i32>} : memref<8x16xf32, #tpu.memory_space<vmem>>, vector<1x16xf32>,
    %swap3A_388 = vector.shape_cast %swap3A_387 : vector<1x16xf32> to vector<16xf32>
    %swap3A_389 = vector.shape_cast %add3A_201 : vector<16xf32> to vector<1x16xf32>
    tpu.vector_store %arg10[%swap3A_385, %swap3A_386], %swap3A_389 {strides = array<i32>} : memref<8x16xf32, #tpu.memory_space<vmem>>, vector<1x16xf32>,
    %swap3A_390 = arith.constant 7 : i32
    %swap3A_391 = arith.index_cast %swap3A_390 : i32 to index
    %swap3A_392 = arith.constant 0 : index
    %swap3A_393 = tpu.vector_load %arg10[%swap3A_391, %swap3A_392] {strides = array<i32>} : memref<8x16xf32, #tpu.memory_space<vmem>>, vector<1x16xf32>,
    %swap3A_394 = vector.shape_cast %swap3A_393 : vector<1x16xf32> to vector<16xf32>
    %swap3A_395 = vector.shape_cast %add3A_203 : vector<16xf32> to vector<1x16xf32>
    tpu.vector_store %arg10[%swap3A_391, %swap3A_392], %swap3A_395 {strides = array<i32>} : memref<8x16xf32, #tpu.memory_space<vmem>>, vector<1x16xf32>,
    "tpu.region"() ({
      %run_scoped3A = tpu.sem_alloc : memref<!tpu.dma_semaphore, #tpu.memory_space<semaphore_mem>>
      %dma_start3A = arith.constant 0 : i32
      %dma_start3A_444 = arith.constant 0 : i32
      %dma_start3A_445 = tpu.memref_slice %arg5[%add3A, %dma_start3A, %dma_start3A_444] : memref<32x8x16xf32, #tpu.memory_space<hbm>> -> memref<1x8x16xf32, #tpu.memory_space<hbm>>
      %dma_start3A_446 = tpu.memref_squeeze %dma_start3A_445 : memref<1x8x16xf32, #tpu.memory_space<hbm>> -> memref<8x16xf32, #tpu.memory_space<hbm>>
      %dma_start3A_447 = arith.constant 0 : i32
      %dma_start3A_448 = arith.constant 0 : i32
      %dma_start3A_449 = tpu.memref_slice %arg5[%add3A, %dma_start3A_447, %dma_start3A_448] : memref<32x8x16xf32, #tpu.memory_space<hbm>> -> memref<1x8x16xf32, #tpu.memory_space<hbm>>
      %dma_start3A_450 = tpu.memref_squeeze %dma_start3A_449 : memref<1x8x16xf32, #tpu.memory_space<hbm>> -> memref<8x16xf32, #tpu.memory_space<hbm>>
      tpu.enqueue_dma source(%arg10 : memref<8x16xf32, #tpu.memory_space<vmem>>) target(%dma_start3A_450 : memref<8x16xf32, #tpu.memory_space<hbm>>) target_semaphore(%run_scoped3A : memref<!tpu.dma_semaphore, #tpu.memory_space<semaphore_mem>>)
      %dma_wait3A = arith.constant 0 : i32
      %dma_wait3A_451 = arith.constant 0 : i32
      %dma_wait3A_452 = tpu.memref_slice %arg5[%add3A, %dma_wait3A, %dma_wait3A_451] : memref<32x8x16xf32, #tpu.memory_space<hbm>> -> memref<1x8x16xf32, #tpu.memory_space<hbm>>
      %dma_wait3A_453 = tpu.memref_squeeze %dma_wait3A_452 : memref<1x8x16xf32, #tpu.memory_space<hbm>> -> memref<8x16xf32, #tpu.memory_space<hbm>>
      %dma_wait3A_454 = arith.constant 0 : i32
      %dma_wait3A_455 = arith.constant 0 : i32
      %dma_wait3A_456 = tpu.memref_slice %arg5[%add3A, %dma_wait3A_454, %dma_wait3A_455] : memref<32x8x16xf32, #tpu.memory_space<hbm>> -> memref<1x8x16xf32, #tpu.memory_space<hbm>>
      %dma_wait3A_457 = tpu.memref_squeeze %dma_wait3A_456 : memref<1x8x16xf32, #tpu.memory_space<hbm>> -> memref<8x16xf32, #tpu.memory_space<hbm>>
      tpu.wait_dma2 semaphore(%run_scoped3A : memref<!tpu.dma_semaphore, #tpu.memory_space<semaphore_mem>>) src(%arg10 : memref<8x16xf32, #tpu.memory_space<vmem>>) dst(%dma_wait3A_457 : memref<8x16xf32, #tpu.memory_space<hbm>>)
      tpu.yield
    }) : () -> ()
    %swap3A_396 = arith.constant 0 : i32
    %swap3A_397 = arith.index_cast %swap3A_396 : i32 to index
    %swap3A_398 = arith.constant 0 : index
    %swap3A_399 = tpu.vector_load %arg10[%swap3A_397, %swap3A_398] {strides = array<i32>} : memref<8x16xf32, #tpu.memory_space<vmem>>, vector<1x16xf32>,
    %swap3A_400 = vector.shape_cast %swap3A_399 : vector<1x16xf32> to vector<16xf32>
    %swap3A_401 = vector.shape_cast %add3A_220 : vector<16xf32> to vector<1x16xf32>
    tpu.vector_store %arg10[%swap3A_397, %swap3A_398], %swap3A_401 {strides = array<i32>} : memref<8x16xf32, #tpu.memory_space<vmem>>, vector<1x16xf32>,
    %swap3A_402 = arith.constant 1 : i32
    %swap3A_403 = arith.index_cast %swap3A_402 : i32 to index
    %swap3A_404 = arith.constant 0 : index
    %swap3A_405 = tpu.vector_load %arg10[%swap3A_403, %swap3A_404] {strides = array<i32>} : memref<8x16xf32, #tpu.memory_space<vmem>>, vector<1x16xf32>,
    %swap3A_406 = vector.shape_cast %swap3A_405 : vector<1x16xf32> to vector<16xf32>
    %swap3A_407 = vector.shape_cast %add3A_238 : vector<16xf32> to vector<1x16xf32>
    tpu.vector_store %arg10[%swap3A_403, %swap3A_404], %swap3A_407 {strides = array<i32>} : memref<8x16xf32, #tpu.memory_space<vmem>>, vector<1x16xf32>,
    %swap3A_408 = arith.constant 2 : i32
    %swap3A_409 = arith.index_cast %swap3A_408 : i32 to index
    %swap3A_410 = arith.constant 0 : index
    %swap3A_411 = tpu.vector_load %arg10[%swap3A_409, %swap3A_410] {strides = array<i32>} : memref<8x16xf32, #tpu.memory_space<vmem>>, vector<1x16xf32>,
    %swap3A_412 = vector.shape_cast %swap3A_411 : vector<1x16xf32> to vector<16xf32>
    %swap3A_413 = vector.shape_cast %add3A_256 : vector<16xf32> to vector<1x16xf32>
    tpu.vector_store %arg10[%swap3A_409, %swap3A_410], %swap3A_413 {strides = array<i32>} : memref<8x16xf32, #tpu.memory_space<vmem>>, vector<1x16xf32>,
    %swap3A_414 = arith.constant 3 : i32
    %swap3A_415 = arith.index_cast %swap3A_414 : i32 to index
    %swap3A_416 = arith.constant 0 : index
    %swap3A_417 = tpu.vector_load %arg10[%swap3A_415, %swap3A_416] {strides = array<i32>} : memref<8x16xf32, #tpu.memory_space<vmem>>, vector<1x16xf32>,
    %swap3A_418 = vector.shape_cast %swap3A_417 : vector<1x16xf32> to vector<16xf32>
    %swap3A_419 = vector.shape_cast %add3A_274 : vector<16xf32> to vector<1x16xf32>
    tpu.vector_store %arg10[%swap3A_415, %swap3A_416], %swap3A_419 {strides = array<i32>} : memref<8x16xf32, #tpu.memory_space<vmem>>, vector<1x16xf32>,
    %swap3A_420 = arith.constant 4 : i32
    %swap3A_421 = arith.index_cast %swap3A_420 : i32 to index
    %swap3A_422 = arith.constant 0 : index
    %swap3A_423 = tpu.vector_load %arg10[%swap3A_421, %swap3A_422] {strides = array<i32>} : memref<8x16xf32, #tpu.memory_space<vmem>>, vector<1x16xf32>,
    %swap3A_424 = vector.shape_cast %swap3A_423 : vector<1x16xf32> to vector<16xf32>
    %swap3A_425 = vector.shape_cast %add3A_292 : vector<16xf32> to vector<1x16xf32>
    tpu.vector_store %arg10[%swap3A_421, %swap3A_422], %swap3A_425 {strides = array<i32>} : memref<8x16xf32, #tpu.memory_space<vmem>>, vector<1x16xf32>,
    %swap3A_426 = arith.constant 5 : i32
    %swap3A_427 = arith.index_cast %swap3A_426 : i32 to index
    %swap3A_428 = arith.constant 0 : index
    %swap3A_429 = tpu.vector_load %arg10[%swap3A_427, %swap3A_428] {strides = array<i32>} : memref<8x16xf32, #tpu.memory_space<vmem>>, vector<1x16xf32>,
    %swap3A_430 = vector.shape_cast %swap3A_429 : vector<1x16xf32> to vector<16xf32>
    %swap3A_431 = vector.shape_cast %add3A_310 : vector<16xf32> to vector<1x16xf32>
    tpu.vector_store %arg10[%swap3A_427, %swap3A_428], %swap3A_431 {strides = array<i32>} : memref<8x16xf32, #tpu.memory_space<vmem>>, vector<1x16xf32>,
    %swap3A_432 = arith.constant 6 : i32
    %swap3A_433 = arith.index_cast %swap3A_432 : i32 to index
    %swap3A_434 = arith.constant 0 : index
    %swap3A_435 = tpu.vector_load %arg10[%swap3A_433, %swap3A_434] {strides = array<i32>} : memref<8x16xf32, #tpu.memory_space<vmem>>, vector<1x16xf32>,
    %swap3A_436 = vector.shape_cast %swap3A_435 : vector<1x16xf32> to vector<16xf32>
    %swap3A_437 = vector.shape_cast %add3A_328 : vector<16xf32> to vector<1x16xf32>
    tpu.vector_store %arg10[%swap3A_433, %swap3A_434], %swap3A_437 {strides = array<i32>} : memref<8x16xf32, #tpu.memory_space<vmem>>, vector<1x16xf32>,
    %swap3A_438 = arith.constant 7 : i32
    %swap3A_439 = arith.index_cast %swap3A_438 : i32 to index
    %swap3A_440 = arith.constant 0 : index
    %swap3A_441 = tpu.vector_load %arg10[%swap3A_439, %swap3A_440] {strides = array<i32>} : memref<8x16xf32, #tpu.memory_space<vmem>>, vector<1x16xf32>,
    %swap3A_442 = vector.shape_cast %swap3A_441 : vector<1x16xf32> to vector<16xf32>
    %swap3A_443 = vector.shape_cast %add3A_346 : vector<16xf32> to vector<1x16xf32>
    tpu.vector_store %arg10[%swap3A_439, %swap3A_440], %swap3A_443 {strides = array<i32>} : memref<8x16xf32, #tpu.memory_space<vmem>>, vector<1x16xf32>,
    "tpu.region"() ({
      %run_scoped3A = tpu.sem_alloc : memref<!tpu.dma_semaphore, #tpu.memory_space<semaphore_mem>>
      %dma_start3A = arith.constant 0 : i32
      %dma_start3A_444 = arith.constant 0 : i32
      %dma_start3A_445 = tpu.memref_slice %arg6[%add3A, %dma_start3A, %dma_start3A_444] : memref<32x8x16xf32, #tpu.memory_space<hbm>> -> memref<1x8x16xf32, #tpu.memory_space<hbm>>
      %dma_start3A_446 = tpu.memref_squeeze %dma_start3A_445 : memref<1x8x16xf32, #tpu.memory_space<hbm>> -> memref<8x16xf32, #tpu.memory_space<hbm>>
      %dma_start3A_447 = arith.constant 0 : i32
      %dma_start3A_448 = arith.constant 0 : i32
      %dma_start3A_449 = tpu.memref_slice %arg6[%add3A, %dma_start3A_447, %dma_start3A_448] : memref<32x8x16xf32, #tpu.memory_space<hbm>> -> memref<1x8x16xf32, #tpu.memory_space<hbm>>
      %dma_start3A_450 = tpu.memref_squeeze %dma_start3A_449 : memref<1x8x16xf32, #tpu.memory_space<hbm>> -> memref<8x16xf32, #tpu.memory_space<hbm>>
      tpu.enqueue_dma source(%arg10 : memref<8x16xf32, #tpu.memory_space<vmem>>) target(%dma_start3A_450 : memref<8x16xf32, #tpu.memory_space<hbm>>) target_semaphore(%run_scoped3A : memref<!tpu.dma_semaphore, #tpu.memory_space<semaphore_mem>>)
      %dma_wait3A = arith.constant 0 : i32
      %dma_wait3A_451 = arith.constant 0 : i32
      %dma_wait3A_452 = tpu.memref_slice %arg6[%add3A, %dma_wait3A, %dma_wait3A_451] : memref<32x8x16xf32, #tpu.memory_space<hbm>> -> memref<1x8x16xf32, #tpu.memory_space<hbm>>
      %dma_wait3A_453 = tpu.memref_squeeze %dma_wait3A_452 : memref<1x8x16xf32, #tpu.memory_space<hbm>> -> memref<8x16xf32, #tpu.memory_space<hbm>>
      %dma_wait3A_454 = arith.constant 0 : i32
      %dma_wait3A_455 = arith.constant 0 : i32
      %dma_wait3A_456 = tpu.memref_slice %arg6[%add3A, %dma_wait3A_454, %dma_wait3A_455] : memref<32x8x16xf32, #tpu.memory_space<hbm>> -> memref<1x8x16xf32, #tpu.memory_space<hbm>>
      %dma_wait3A_457 = tpu.memref_squeeze %dma_wait3A_456 : memref<1x8x16xf32, #tpu.memory_space<hbm>> -> memref<8x16xf32, #tpu.memory_space<hbm>>
      tpu.wait_dma2 semaphore(%run_scoped3A : memref<!tpu.dma_semaphore, #tpu.memory_space<semaphore_mem>>) src(%arg10 : memref<8x16xf32, #tpu.memory_space<vmem>>) dst(%dma_wait3A_457 : memref<8x16xf32, #tpu.memory_space<hbm>>)
      tpu.yield
    }) : () -> ()
    return
  }
}

module attributes {stable_mosaic.version = 14 : i64} {
  func.func @_gate_body(%arg0: i32, %arg1: memref<2048x2048xf32, #tpu.memory_space<vmem>>, %arg2: memref<8x2048xf32, #tpu.memory_space<vmem>>, %arg3: memref<2x8x1024xf32, #tpu.memory_space<vmem>>) attributes {dimension_semantics = [#tpu.dimension_semantics<arbitrary>], iteration_bounds = array<i64: 16>, scalar_prefetch = 0 : i64, scratch_operands = 0 : i64, tpu.core_type = #tpu.core_type<tc>, window_params = [{transform_indices = @transform_0, window_bounds = array<i64: 2048, 2048>}, {pipeline_mode = #tpu.pipeline_mode<synchronous>, transform_indices = @transform_1, window_bounds = array<i64: 8, 2048>}, {transform_indices = @transform_2, window_bounds = array<i64: 2, 8, 1024>}]} {
    %get3A = arith.constant 0 : index
    %get3A_0 = arith.constant 0 : index
    %get3A_1 = vector.load %arg1[%get3A, %get3A_0] : memref<2048x2048xf32, #tpu.memory_space<vmem>>, vector<2048x2048xf32>
    %get3A_2 = arith.constant 0 : index
    %get3A_3 = arith.constant 0 : index
    %get3A_4 = vector.load %arg2[%get3A_2, %get3A_3] : memref<8x2048xf32, #tpu.memory_space<vmem>>, vector<8x2048xf32>
    %dot_general3A = arith.constant dense<0.000000e+00> : vector<8x2048xf32>
    %dot_general3A_5 = tpu.matmul %get3A_4, %get3A_1, %dot_general3A {dimension_numbers = #tpu.dot_dimension_numbers<[1], [1], [0], [0], [0, 0, 1, 0], [], []>, transpose_lhs_hint = false} : vector<8x2048xf32>, vector<2048x2048xf32>, vector<8x2048xf32> -> vector<8x2048xf32>
    %slice3A = vector.extract_strided_slice %dot_general3A_5 {offsets = [0, 0], sizes = [8, 1024], strides = [1, 1]} : vector<8x2048xf32> to vector<8x1024xf32>
    %swap3A = arith.constant 0 : index
    %swap3A_6 = arith.constant 0 : index
    %swap3A_7 = arith.constant 0 : index
    %swap3A_8 = vector.load %arg3[%swap3A, %swap3A_6, %swap3A_7] : memref<2x8x1024xf32, #tpu.memory_space<vmem>>, vector<1x8x1024xf32>
    %swap3A_9 = vector.shape_cast %swap3A_8 : vector<1x8x1024xf32> to vector<8x1024xf32>
    %swap3A_10 = vector.shape_cast %slice3A : vector<8x1024xf32> to vector<1x8x1024xf32>
    tpu.vector_store %arg3[%swap3A, %swap3A_6, %swap3A_7], %swap3A_10 {strides = array<i32>} : memref<2x8x1024xf32, #tpu.memory_space<vmem>>, vector<1x8x1024xf32>,
    %slice3A_11 = vector.extract_strided_slice %dot_general3A_5 {offsets = [0, 1024], sizes = [8, 1024], strides = [1, 1]} : vector<8x2048xf32> to vector<8x1024xf32>
    %swap3A_12 = arith.constant 1 : index
    %swap3A_13 = arith.constant 0 : index
    %swap3A_14 = arith.constant 0 : index
    %swap3A_15 = vector.load %arg3[%swap3A_12, %swap3A_13, %swap3A_14] : memref<2x8x1024xf32, #tpu.memory_space<vmem>>, vector<1x8x1024xf32>
    %swap3A_16 = vector.shape_cast %swap3A_15 : vector<1x8x1024xf32> to vector<8x1024xf32>
    %swap3A_17 = vector.shape_cast %slice3A_11 : vector<8x1024xf32> to vector<1x8x1024xf32>
    tpu.vector_store %arg3[%swap3A_12, %swap3A_13, %swap3A_14], %swap3A_17 {strides = array<i32>} : memref<2x8x1024xf32, #tpu.memory_space<vmem>>, vector<1x8x1024xf32>,
    return
  }
  func.func @transform_0(%arg0: i32) -> (i32, i32) {
    %c0_i32 = arith.constant 0 : i32
    %c0_i32_0 = arith.constant 0 : i32
    return %arg0, %c0_i32 : i32, i32
  }
  func.func @transform_1(%arg0: i32) -> (i32, i32) {
    %c0_i32 = arith.constant 0 : i32
    %c0_i32_0 = arith.constant 0 : i32
    %c0_i32_1 = arith.constant 0 : i32
    return %c0_i32, %c0_i32_0 : i32, i32
  }
  func.func @transform_2(%arg0: i32) -> (i32, i32, i32) {
    %c0_i32 = arith.constant 0 : i32
    %c0_i32_0 = arith.constant 0 : i32
    %c0_i32_1 = arith.constant 0 : i32
    return %arg0, %c0_i32, %c0_i32_0 : i32, i32, i32
  }
}

</mosaic_0001>

<sc_bundles>
// kernel: kernel.4.cloned.1.call-start
scs
__scs_entry_jumppad:
0x0: {  	(pc) =	sbr.rel $0x88, $3  }
0x1: {  	(tag) =	ssettag $0x0;
	lr =	simm.s32 $0x1  }
0x2: {  	[smem:$0x3F9F] =	sst lr;
	_ =	strace $0xD0000000  }
0x3: {  	_ = 	snop  }
0x4: {  	_ = 	snop  }
0x5: {  	_ = 	snop  }
0x6: {  	_ = 	snop  }
0x7: {  	_ = 	snop  }
__scs_overlays_trampoline_lowered:
0x8: {  	[smem:$0x3FAE] =	sst s0  }
0x9: {  	[smem:$0x3FAF] =	sst s1  }
0xa: {  	[smem:$0x3FB0] =	sst s2  }
0xb: {  	[smem:$0x3FB1] =	sst s3  }
0xc: {  	[smem:$0x3FB2] =	sst s4  }
0xd: {  	[smem:$0x3FB3] =	sst s5  }
0xe: {  	[smem:$0x3FB4] =	sst s6  }
0xf: {  	[smem:$0x3FB5] =	sst s7  }
0x10: {  	[smem:$0x3FB6] =	sst s8  }
0x11: {  	[smem:$0x3FB7] =	sst s9;
	s0 =	simm.s32 @!p0 $0x0  }
0x12: {  	s1 =	sld [smem:$0x3F9D];
	s0 =	simm.s32 @p0 $0x1  }
0x13: {  	[smem:$0x3FB8] =	sst s0;
	s0 =	simm.s32 @!p1 $0x0  }
0x14: {  	s2 =	sld [smem:$0x3F9C];
	s0 =	simm.s32 @p1 $0x1  }
0x15: {  	[smem:$0x3FB9] =	sst s0;
	s0 =	simm.s32 @!p2 $0x0  }
0x16: {  	s3 =	sld [smem:$0x3FDB];
	s0 =	simm.s32 @p2 $0x1  }
0x17: {  	s4 =	simm.s32 $0x1BF5;
	[smem:$0x3FBB] =	sst s0  }
0x18: {  	s0 =	sld [smem:$0x3F9E];
	_ =	swait.ge [sflag:s4], $0x0  }
0x19: {  	s7 =	sld [smem:$0x3F9F]  }
0x1a: {  	s8 =	sadd.s32 $0xFFFFE003, lr  }
0x1b: {  	s9 =	sadd.s32 $0xFFFFFEF7, lr;
	s5 =	simm.s32 $0xFFFFFFFF;
	p2 =	slt.u32 s8, $0xFFFFF086  }
0x1c: {  	p1 =	slt.u32 s9, $0xF7A;
	s5 =	simm.s32 @!p2 $0x0  }
0x1d: {  	s5 =	simm.s32 @p1 $0x1;
	p0 =	seq.s32 s7, s2  }
0x1e: {  	s7 =	smul.u32 @!p0 $0xF7A, s2;
	p2 =	seq.s32 @!p0 s5, $0x0  }
0x1f: {  	s9 =	smul.u32 $0xF7A, s1;
	s8 =	simm.s32 @!p0 $0x1BF5;
	p2 =	por !p2, p0  }
0x20: {  	[sflag:s8] =	ssyncset.s32 @!p0 $0xFFFFF086;
	s6 =	sadd.s32 @!p0 s3, s7;
	s7 =	simm.s32 @!p0 $0x108  }
0x21: {  	s3 =	sadd.s32 s3, s9;
	s6 =	sadd.s32 @!p0 $0x88, s6;
	s7 =	simm.s32 @p2 $0x1082  }
0x22: {  	[simem:s7], [sflag:s8] =	dma.local @!p0 [hbm:s6], $0xF7A  }
0x23: {  	s9 =	sor.u32 $0xD0000000, s2;
	s6 =	simm.s32 $0x108;
	_ =	swait.ge @!p0 [sflag:s8], $0x0  }
0x24: {  	s3 =	sadd.s32 $0x88, s3;
	s6 =	simm.s32 @!p1 $0x1082;
	[sflag:s4] =	ssyncset.s32 $0xFFFFF086  }
0x25: {  	[simem:s6], [sflag:s4] =	dma.local [hbm:s3], $0xF7A  }
0x26: {  	[smem:$0x3F9F] =	sst s1;
	(tag) =	ssettag s2;
	_ =	strace s9  }
0x27: {  	s1 =	sld [smem:$0x3FAF]  }
0x28: {  	s2 =	sld [smem:$0x3FB0]  }
0x29: {  	s4 =	sld [smem:$0x3FB2]  }
0x2a: {  	p0 =	seq.s32 s5, $0x0;
	s5 =	sld [smem:$0x3FB3]  }
0x2b: {  	s6 =	sld [smem:$0x3FB4]  }
0x2c: {  	s7 =	sld [smem:$0x3FB5]  }
0x2d: {  	s3 =	simm.s32 $0x108;
	s8 =	sld [smem:$0x3FB6]  }
0x2e: {  	s3 =	simm.s32 @!p0 $0x1082;
	s9 =	sld [smem:$0x3FB7]  }
0x2f: {  	lr =	sadd.s32 s0, s3;
	s0 =	sld [smem:$0x3FAE]  }
0x30: {  	s3 =	sld [smem:$0x3FB1]  }
0x31: {  	[smem:$0x3FBA] =	sst s10  }
0x32: {  	s10 =	sld [smem:$0x3FB8];
	_ =	sdelay $0x3  }
0x33: {  	p0 =	seq.s32 s10, $0x1;
	s10 =	sld [smem:$0x3FBA];
	_ =	sdelay $0x3  }
0x34: {  	[smem:$0x3FBA] =	sst s10  }
0x35: {  	s10 =	sld [smem:$0x3FB9];
	_ =	sdelay $0x3  }
0x36: {  	p1 =	seq.s32 s10, $0x1;
	s10 =	sld [smem:$0x3FBA];
	_ =	sdelay $0x3  }
0x37: {  	[smem:$0x3FBA] =	sst s10  }
0x38: {  	s10 =	sld [smem:$0x3FBB]  }
0x39: {  	_ = 	snop;
	(pc) =	sbr.ind lr, $3  }
0x3a: {  	_ = 	snop  }
0x3b: {  	_ = 	snop  }
0x3c: {  	p2 =	seq.s32 s10, $0x1;
	s10 =	sld [smem:$0x3FBA]  }
0x3d: {  	_ =	shalt  }
0x3e: {  	_ =	shalt  }
0x3f: {  	_ =	shalt  }
0x40: {  	_ =	shalt  }
0x41: {  	_ =	shalt  }
0x42: {  	_ =	shalt  }
0x43: {  	_ =	shalt  }
0x44: {  	_ =	shalt  }
0x45: {  	_ =	shalt  }
0x46: {  	_ =	shalt  }
0x47: {  	_ =	shalt  }
0x48: {  	_ =	shalt  }
0x49: {  	_ =	shalt  }
0x4a: {  	_ =	shalt  }
0x4b: {  	_ =	shalt  }
0x4c: {  	_ =	shalt  }
0x4d: {  	_ =	shalt  }
0x4e: {  	_ =	shalt  }
0x4f: {  	_ =	shalt  }
0x50: {  	_ =	shalt  }
0x51: {  	_ =	shalt  }
0x52: {  	_ =	shalt  }
0x53: {  	_ =	shalt  }
0x54: {  	_ =	shalt  }
0x55: {  	_ =	shalt  }
0x56: {  	_ =	shalt  }
0x57: {  	_ =	shalt  }
0x58: {  	_ =	shalt  }
0x59: {  	_ =	shalt  }
0x5a: {  	_ =	shalt  }
0x5b: {  	_ =	shalt  }
0x5c: {  	_ =	shalt  }
0x5d: {  	_ =	shalt  }
0x5e: {  	_ =	shalt  }
0x5f: {  	_ =	shalt  }
0x60: {  	_ =	shalt  }
0x61: {  	_ =	shalt  }
0x62: {  	_ =	shalt  }
0x63: {  	_ =	shalt  }
0x64: {  	_ =	shalt  }
0x65: {  	_ =	shalt  }
0x66: {  	_ =	shalt  }
0x67: {  	_ =	shalt  }
0x68: {  	_ =	shalt  }
0x69: {  	_ =	shalt  }
0x6a: {  	_ =	shalt  }
0x6b: {  	_ =	shalt  }
0x6c: {  	_ =	shalt  }
0x6d: {  	_ =	shalt  }
0x6e: {  	_ =	shalt  }
0x6f: {  	_ =	shalt  }
0x70: {  	_ =	shalt  }
0x71: {  	_ =	shalt  }
0x72: {  	_ =	shalt  }
0x73: {  	_ =	shalt  }
0x74: {  	_ =	shalt  }
0x75: {  	_ =	shalt  }
0x76: {  	_ =	shalt  }
0x77: {  	_ =	shalt  }
0x78: {  	_ =	shalt  }
0x79: {  	_ =	shalt  }
0x7a: {  	_ =	shalt  }
0x7b: {  	_ =	shalt  }
0x7c: {  	_ =	shalt  }
0x7d: {  	_ =	shalt  }
0x7e: {  	_ =	shalt  }
0x7f: {  	_ =	shalt  }
0x80: {  	_ =	shalt  }
0x81: {  	_ =	shalt  }
0x82: {  	_ =	shalt  }
0x83: {  	_ =	shalt  }
0x84: {  	_ =	shalt  }
0x85: {  	_ =	shalt  }
0x86: {  	_ =	shalt  }
0x87: {  	_ =	shalt  }
.Lfunc_end0:
.L_simem_size_0:
called_computation_lowered:
.L_overlay_start_0:
0x88: {  	s2 =	sld [smem:$0x3FD9]  }
0x89: {  	s3 =	sld [smem:$0x3FFE];
	_ =	sdelay $0x1  }
0x8a: {  	s1 =	srdreg.scid  }
0x8b: {  	s0 =	sand.u32 $0x1, s1  }
0x8c: {  	s14 =	sshll.u32 s0, $0xA;
	s2 =	sadd.s32 s3, s2  }
0x8d: {  	s2 =	sadd.s32 s2, s14  }
0x8e: {  	[smem:$0x3FC6] =	sst s2  }
0x8f: {  	_ = 	snop  }
0x90: {  	s2 =	sld [smem:$0x3FD0];
	_ =	sdelay $0x2  }
0x91: {  	s15 =	simm.s32 $0xA;
	s4 =	simm.s32 $0x10  }
0x92: {  	[smem:s4], [sflag:s15] =	dma.local [hbm:s2], $0x1  }
0x93: {  	_ =	swait.eq [sflag:s15], $0x1  }
0x94: {  	[sflag:s15] =	ssyncset.done $0x0  }
0x95: {  	s16 =	sld [smem:$0x10];
	[sflag:s15] =	ssyncadd.s32 $0xFFFFFFFF  }
0x96: {  	s17 =	sld [smem:$0x11];
	(tm) =	ssettm $0x1  }
0x97: {  	s18 =	sld [smem:$0x3FFB];
	_ =	sdelay $0x3  }
0x98: {  	_ =	strace s18  }
0x99: {  	s4 =	sld [smem:$0x3FFC];
	_ =	sdelay $0x3  }
0x9a: {  	_ =	strace s4  }
0x9b: {  	s4 =	sld [smem:$0x3FFD];
	_ =	sdelay $0x3  }
0x9c: {  	_ =	strace s4  }
0x9d: {  	_ =	strace $0x8FFFFFFF  }
0x9e: {  	s19 =	sld [smem:$0x3FDB];
	_ =	sdelay $0x1  }
0x9f: {  	s5 =	simm.s32 $_scs_section_size  }
0xa0: {  	s6 =	simm.s32 $_size__tile_overlayer_lowered;
	s7 =	simm.s32 $_tile_overlayer_lowered  }
0xa1: {  	s22 =	simm.s32 $0x1BFF;
	s21 =	sshll.u32 s7, $0x1;
	s4 =	sadd.s32 s5, s19  }
0xa2: {  	s8 =	simm.s32 $0x0;
	s20 =	sshll.u32 s6, $0x1;
	s6 =	sadd.s32 s21, s4  }
0xa3: {  	[timem:s8], [sflag:s22] =	dma.local [hbm:s6], s20  }
0xa4: {  	_ =	swait.ge [sflag:s22], s20  }
0xa5: {  	s5 =	ssub.s32 $0x0, s20;
	[sflag:s22] =	ssyncset.done $0x0  }
0xa6: {  	[sflag:s22] =	ssyncadd.s32 s5;
	_ =	sdelay $0x1  }
0xa7: {  	s23 =	simm.s32 $0x1B8B  }
0xa8: {  	_ =	swait.ge [sflag:s23], $0x1  }
0xa9: {  	[sflag:s23] =	ssyncset.done $0x0  }
0xaa: {  	s25 =	simm.s32 $0x1B8E;
	s24 =	sld [smem:$0x3FFE];
	[sflag:s23] =	ssyncadd.s32 $0xFFFFFFFF  }
0xab: {  	s26 =	simm.s32 $execute0_lowered;
	[smem:$0x3FD2] =	sst s25  }
0xac: {  	s6 =	sshll.u32 s26, $0x1;
	_ =	strace $0x80000046;
	[dreg:$0x1] =	wrdreg $0xFFFFFFFF  }
0xad: {  	s28 =	simm.s32 $_size_execute0_lowered;
	s4 =	sadd.s32 s4, s6;
	[dreg:$0x0] =	wrdreg $0x0  }
0xae: {  	s6 =	sshll.u32 s28, $0x1;
	[dreg:$0x2] =	wrdreg s4  }
0xaf: {  	[dreg:$0x3] =	wrdreg s6  }
0xb0: {  	[dreg:$0x4] =	wrdreg $0xC0  }
0xb1: {  	_ =	task [dreg:s8], $0x5FFFF  }
0xb2: {  	[dreg:$0x1] =	wrdreg $0xFFFFFFFF  }
0xb3: {  	[dreg:$0x0] =	wrdreg $0x60  }
0xb4: {  	[dreg:$0x2] =	wrdreg s24  }
0xb5: {  	[dreg:$0x3] =	wrdreg s16  }
0xb6: {  	[dreg:$0x4] =	wrdreg s17  }
0xb7: {  	[dreg:$0x5] =	wrdreg $0x9  }
0xb8: {  	_ =	task.clear_ibuf [dreg:s8], $0x6FFFF;
	_ =	strace $0x90000046  }
0xb9: {  	s29 =	simm.s32 $0x9;
	_ =	strace $0x80000048  }
0xba: {  	_ =	swait.ge [sflag:s29], $0x1  }
0xbb: {  	[sflag:s29] =	ssyncadd.s32 $0xFFFFFFFF  }
0xbc: {  	_ =	strace $0x90000048  }
0xbd: {  	_ =	sfence  }
0xbe: {  	s30 =	sld [smem:$0x0];
	_ =	sdelay $0x2  }
0xbf: {  	s31 =	sshll.u32 s1, $0xD;
	s1 =	sshrl.u32 s1, $0x2  }
0xc0: {  	s3 =	sand.u32 $0x4000, s31;
	s1 =	sadd.s32 s1, s30  }
0xc1: {  	s0 =	sor.u32 s3, s0;
	s1 =	sshll.u32 s1, $0x11  }
0xc2: {  	s0 =	sor.u32 s1, s0  }
0xc3: {  	s0 =	sadd.s32 $0x8F2B, s0  }
0xc4: {  	[sflag:s0] =	ssyncadd.remote.s32 $0x1  }
0xc5: {  	_ =	sfence.sel $0xFFFF  }
0xc6: {  	[dreg:$0x0] =	wrdreg $0xFFFFFFFF;
	(pc) =	sbr.abs _section_cstart, $3  }
0xc7: {  	[dreg:$0x1] =	wrdreg $0xFFFFFFFF  }
0xc8: {  	_ =	task.clear_ibuf [dreg:s8], $0x2FFFF;
	_ =	strace $0x9FFFFFFF  }
0xc9: {  	(tm) =	ssettm $0x7FFFFFFF  }
tec
execute0_lowered:
.L_overlay_start_1:
0x0: {  	(tag) =	ssettag $0x1  }
0x1: {  	s7 =	rddreg [dreg:$0x0]  }
0x2: {  	s5 =	rddreg [dreg:$0x1]  }
0x3: {  	s1 =	srdreg.scid;
	s0 =	stileid.u32  }
0x4: {  	s9 =	rddreg [dreg:$0x2];
	s10 =	sand.u32 $0x1, s1;
	s3 =	sshll.u32 s0, $0x1  }
0x5: {  	s2 =	simm.s32 $0x0;
	s1 =	rddreg [dreg:$0x3];
	s8 =	sor.u32 s10, s3  }
0x6: {  	[smem:$0x7FF] =	sst s2;
	s3 =	sshll.u32 s8, $0xA  }
0x7: {  	_ =	strace $0x80000047;
	s4 =	sadd.s32 s7, s3;
	s3 =	simm.s32 $0x1  }
0x8: {  	[tilespmem:s2], [sflag:$0x1] =	stream.linear.gather [hbm4b:s4+s2], $0x2000, $0x38;
	[tilespmem:$0x3400] =	vst v63  }
0x9: {  	_ =	swait.ge [sflag:s3], $0x2000  }
0xa: {  	[sflag:s3] =	ssyncset.done $0x0  }
0xb: {  	[sflag:s3] =	ssyncadd.s32 $0xFFFFE000  }
0xc: {  	v0 =	vld [tilespmem:$0x0]  }
0xd: {  	v1 =	vld [tilespmem:$0x80]  }
0xe: {  	v2 =	vld [tilespmem:$0x100]  }
0xf: {  	v3 =	vld [tilespmem:$0x180]  }
0x10: {  	v4 =	vld [tilespmem:$0x200]  }
0x11: {  	v5 =	vld [tilespmem:$0x280]  }
0x12: {  	v6 =	vld [tilespmem:$0x300];
	v7 =	vmax.f32 v0, v1  }
0x13: {  	v8 =	vld [tilespmem:$0x380];
	v7 =	vmax.f32 v7, v2  }
0x14: {  	v7 =	vmax.f32 v7, v3  }
0x15: {  	v7 =	vmax.f32 v7, v4  }
0x16: {  	v7 =	vmax.f32 v7, v5  }
0x17: {  	v7 =	vmax.f32 v7, v6  }
0x18: {  	v7 =	vmax.f32 v7, v8  }
0x19: {  	v0 =	vsub.f32 v0, v7  }
0x1a: {  	v1 =	vsub.f32 v1, v7  }
0x1b: {  	v0 =	vmul.f32 $1.442695020e+00, v0  }
0x1c: {  	v1 =	vmul.f32 $1.442695020e+00, v1  }
0x1d: {  	v2 =	vsub.f32 v2, v7;
	(erf) = vpow2.f32 v0  }
0x1e: {  	(erf) = vpow2.f32 v1  }
0x1f: {  	v0 =	vmul.f32 $1.442695020e+00, v2  }
0x20: {  	v1 =	vsub.f32 v3, v7  }
0x21: {  	v2 =	vsub.f32 v8, v7;
	(erf) = vpow2.f32 v0  }
0x22: {  	v0 =	vsub.f32 v5, v7;
	v1 =	vmul.f32 $1.442695020e+00, v1  }
0x23: {  	v3 =	vsub.f32 v4, v7;
	v2 =	vmul.f32 $1.442695020e+00, v2  }
0x24: {  	v0 =	vmul.f32 $1.442695020e+00, v0;
	(erf) = vpow2.f32 v1  }
0x25: {  	v1 =	vmul.f32 $1.442695020e+00, v3;
	(erf) = vpow2.f32 v2  }
0x26: {  	v8 =	vpop (erf);
	(erf) = vpow2.f32 v0  }
0x27: {  	v9 =	vpop (erf);
	(erf) = vpow2.f32 v1  }
0x28: {  	vm6 =	vgt.f32 v9, v8;
	vm7 =	vgt.f32 v9, $-1.000000000e+00  }
0x29: {  	v0 =	vsub.f32 v6, v7;
	vm8 =	vmneg vm6;
	v1 =	vnsel vm7, $0xBF800000, v9  }
0x2a: {  	v6 =	vpop (erf);
	v1 =	vsel vm8, v1, v8  }
0x2b: {  	v0 =	vmul.f32 $1.442695020e+00, v0;
	v2 =	vsel vm8, v8, v9;
	vm1 =	vgt.f32 v6, v1  }
0x2c: {  	vm0 =	vgt.f32 v6, v2;
	v1 =	vsel vm1, v6, v1  }
0x2d: {  	(erf) = vpow2.f32 v0;
	v7 =	vpop (erf);
	v1 =	vsel vm0, v2, v1  }
0x2e: {  	v10 =	vpop (erf);
	v2 =	vsel vm0, v6, v2;
	vm4 =	vgt.f32 v7, v1  }
0x2f: {  	vm2 =	vgt.f32 v7, v2;
	v0 =	vsel vm4, v7, v1;
	v11 =	vpop (erf);
	v1 =	vadd.f32 v9, v8  }
0x30: {  	v3 =	vsel vm2, v2, v0;
	v12 =	vpop (erf);
	v0 =	vimm.s32 $0x0  }
0x31: {  	v2 =	vsel vm2, v7, v2;
	vm5 =	vgt.f32 v12, v3;
	v1 =	vadd.f32 v1, v6  }
0x32: {  	vm3 =	vgt.f32 v12, v2;
	v4 =	vsel vm6, $0x1, v0;
	v3 =	vsel vm5, v12, v3  }
0x33: {  	vm6 =	vmand vm8, vm7;
	v3 =	vsel vm3, v2, v3;
	v1 =	vadd.f32 v1, v7  }
0x34: {  	v5 =	vsel vm6, $0x1, v0;
	v2 =	vsel vm3, v12, v2;
	vm7 =	vgt.f32 v11, v3  }
0x35: {  	vm6 =	vgt.f32 v11, v2;
	v3 =	vsel vm7, v11, v3;
	v1 =	vadd.f32 v1, v12  }
0x36: {  	v13 =	vsel vm0, $0x2, v4;
	v14 =	vpop (erf);
	v5 =	vsel vm1, $0x2, v5;
	v3 =	vsel vm6, v2, v3  }
0x37: {  	v2 =	vsel vm6, v11, v2;
	vm15 =	vgt.f32 v14, v3;
	v1 =	vadd.f32 v1, v11  }
0x38: {  	v4 =	vsel vm0, v4, v5;
	vm1 =	vgt.f32 v14, v2;
	v3 =	vsel vm15, v14, v3  }
0x39: {  	v3 =	vsel vm1, v2, v3;
	v2 =	vsel vm1, v14, v2;
	v1 =	vadd.f32 v1, v14  }
0x3a: {  	v4 =	vsel vm4, $0x3, v4;
	vm0 =	vgt.f32 v10, v2;
	vm9 =	vgt.f32 v10, v3  }
0x3b: {  	vm0 =	vmneg vm0;
	v3 =	vsel vm9, v10, v3;
	v1 =	vadd.f32 v1, v10  }
0x3c: {  	v5 =	vsel vm0, v3, v2;
	v15 =	vsel vm0, v2, v10;
	v2 =	vsel vm2, v13, v4  }
0x3d: {  	v4 =	vsel vm2, $0x3, v13;
	v2 =	vsel vm5, $0x4, v2  }
0x3e: {  	v3 =	vadd.f32 v5, v15;
	(erf) = vrcp.f32 v1;
	v1 =	vsel vm3, v4, v2  }
0x3f: {  	v2 =	vsel vm3, $0x4, v4;
	v1 =	vsel vm7, $0x5, v1  }
0x40: {  	(erf) = vrcp.f32 v3;
	v1 =	vsel vm6, v2, v1  }
0x41: {  	v2 =	vsel vm6, $0x5, v2;
	v1 =	vsel vm15, $0x6, v1  }
0x42: {  	v1 =	vsel vm1, v2, v1  }
0x43: {  	v2 =	vsel vm1, $0x6, v2;
	v1 =	vsel vm9, $0x7, v1  }
0x44: {  	v16 =	vsel vm0, v1, v2  }
0x45: {  	v1 =	vimm.f32 $0.0e+00;
	vm3 =	veq.s32 v16, $0x0  }
0x46: {  	v17 =	vnsel vm0, $0x7, v2;
	v4 =	vsel vm3, $0x3F800000, v1  }
0x47: {  	vm2 =	veq.s32 v17, $0x0  }
0x48: {  	v3 =	vsel vm2, $0x3F800000, v1;
	v13 =	vpop (erf)  }
0x49: {  	v3 =	vadd.f32 v4, v3;
	v4 =	vpop (erf)  }
0x4a: {  	vm1 =	vmand vm1, vm0;
	[tilespmem:$0x2800] =	vst v17;
	v15 =	vmul.f32 v4, v15  }
0x4b: {  	v2 =	vimm.f32 $1.000000000e+00;
	vm6 =	veq.s32 v17, $0x2;
	[tilespmem:$0x2880] =	vst v16;
	v19 =	vmul.f32 v4, v5  }
0x4c: {  	s12 =	ssub.s32 $0x2, s10;
	s11 =	sshll.u32 s8, $0x8;
	vm2 =	veq.s32 v17, $0x1;
	vm4 =	veq.s32 v16, $0x3;
	vm5 =	veq.s32 v16, $0x7;
	[tilespmem:$0x2000] =	vst v15  }
0x4d: {  	s6 =	simm.s32 $0x2000;
	s13 =	sshrl.u32 s12, $0x1;
	s5 =	sadd.s32 s5, s11;
	v18 =	vsel vm2, $0x3F800000, v1;
	vm2 =	veq.s32 v16, $0x1;
	vm3 =	veq.s32 v17, $0x3;
	[tilespmem:$0x2080] =	vst v19  }
0x4e: {  	v21 =	vsel vm4, $0x3F800000, v1;
	vm4 =	veq.s32 v16, $0x6;
	v20 =	vsel vm3, $0x3F800000, v1;
	[hbm4b:s5+s2] =	stream.linear.scatter [tilespmem:s6], [sflag:$0x1], $0x800, $0x38;
	[tilespmem:$0x3400] =	vst v63  }
0x4f: {  	s31 =	ssub.s32 s12, s13;
	vm3 =	veq.s32 v16, $0x4;
	v4 =	vsel vm2, $0x3F800000, v1;
	vm2 =	veq.s32 v17, $0x4;
	_ =	swait.ge [sflag:s3], $0x800  }
0x50: {  	s10 =	simm.s32 $0x2800;
	s12 =	smax.u32 s31, $0x1;
	v5 =	vadd.f32 v4, v18;
	v4 =	vadd.f32 v21, v20;
	v18 =	vmul.f32 v13, v12;
	[sflag:s3] =	ssyncset.done $0x0  }
0x51: {  	s9 =	sadd.s32 s9, s11;
	p0 =	sne.s32 s12, $0x1;
	v12 =	vsel vm3, $0x3F800000, v1;
	vm3 =	veq.s32 v16, $0x5;
	v15 =	vmul.f32 v13, v8;
	[sflag:s3] =	ssyncadd.s32 $0xFFFFF800  }
0x52: {  	v8 =	vmul.f32 v13, v10;
	v10 =	vsel vm2, $0x3F800000, v1;
	v19 =	vmul.f32 v13, v14;
	[hbm4b:s9+s2] =	stream.linear.scatter [tilespmem:s10], [sflag:$0x1], $0x800, $0x38;
	[tilespmem:$0x3400] =	vst v63  }
.Ltmp0:
0x53: {  	v14 =	vmul.f32 v13, v11;
	v11 =	vmul.f32 v13, v6;
	vm2 =	veq.s32 v17, $0x5;
	(pc) =	sbr.rel @!p0 .LBB2_2-.Ltmp0, $4  }
0x54: {  	v6 =	vadd.f32 v12, v10;
	v12 =	vmul.f32 v13, v9;
	v10 =	vmul.f32 v13, v7;
	_ =	swait.ge [sflag:s3], $0x800  }
0x55: {  	s8 =	sshll.u32 s8, $0x7;
	v9 =	vsel vm4, $0x3F800000, v1;
	v13 =	vadd.f32 $0.0e+00, v14;
	v17 =	vadd.f32 $0.0e+00, v8;
	[sflag:s3] =	ssyncset.done $0x0  }
0x56: {  	s7 =	sadd.s32 s8, s7;
	s8 =	simm.s32 $0x3000;
	v7 =	vsel vm6, $0x3F800000, v1;
	v14 =	vadd.f32 $0.0e+00, v15;
	v15 =	vadd.f32 $0.0e+00, v19;
	[sflag:s3] =	ssyncadd.s32 $0xFFFFF800  }
0x57: {  	s11 =	sadd.s32 $0x8000, s7;
	s7 =	sadd.s32 $0x9000, s7;
	s12 =	sadd.s32 $0xFFFFFFFF, s12;
	vm4 =	veq.s32 v16, $0x2;
	v16 =	vadd.f32 $0.0e+00, v18;
	v8 =	vsel vm5, $0x3F800000, v1;
	[tilespmem:$0x3380] =	vst v17  }
.LBB2_1:
0x58: {  	p0 =	sne.s32 s12, $0x1;
	s12 =	sadd.s32 $0xFFFFFFFF, s12;
	[tilespmem:$0x3300] =	vst v15  }
0x59: {  	[tilespmem:$0x3200] =	vst v16  }
0x5a: {  	v11 =	vadd.f32 $0.0e+00, v11;
	[tilespmem:$0x3280] =	vst v13  }
0x5b: {  	v12 =	vadd.f32 $0.0e+00, v12;
	[tilespmem:$0x3000] =	vst v14  }
0x5c: {  	v10 =	vadd.f32 $0.0e+00, v10;
	[tilespmem:$0x3100] =	vst v11  }
0x5d: {  	[tilespmem:$0x3080] =	vst v12  }
0x5e: {  	[tilespmem:$0x3180] =	vst v10  }
0x5f: {  	[hbm4b:s11+s2] =	stream.linear.scatter [tilespmem:s8], [sflag:$0x1], $0x400, $0x38;
	[tilespmem:$0x3400] =	vst v63  }
0x60: {  	_ =	swait.ge [sflag:s3], $0x400  }
0x61: {  	[sflag:s3] =	ssyncset.done $0x0  }
0x62: {  	[sflag:s3] =	ssyncadd.s32 $0xFFFFFC00  }
0x63: {  	[tilespmem:$0x3000] =	vst v3  }
0x64: {  	v10 =	vsel vm3, $0x3F800000, v1;
	v3 =	vsel vm2, $0x3F800000, v1;
	[tilespmem:$0x3080] =	vst v5  }
0x65: {  	v3 =	vadd.f32 v10, v3;
	v5 =	vsel vm1, $0x3F800000, v1;
	[tilespmem:$0x3180] =	vst v4  }
0x66: {  	v4 =	vadd.f32 v9, v5;
	v5 =	vsel vm0, $0x0, v2;
	[tilespmem:$0x3200] =	vst v6  }
0x67: {  	v5 =	vadd.f32 v8, v5;
	[tilespmem:$0x3280] =	vst v3  }
0x68: {  	v3 =	vsel vm4, $0x3F800000, v1;
	[tilespmem:$0x3300] =	vst v4  }
0x69: {  	v3 =	vadd.f32 v3, v7;
	[tilespmem:$0x3380] =	vst v5;
	_ =	sdelay $0x1  }
0x6a: {  	[tilespmem:$0x3100] =	vst v3  }
0x6b: {  	[hbm4b:s7+s2] =	stream.linear.scatter [tilespmem:s8], [sflag:$0x1], $0x400, $0x38;
	[tilespmem:$0x3400] =	vst v63  }
0x6c: {  	_ =	swait.ge [sflag:s3], $0x400  }
0x6d: {  	[sflag:s3] =	ssyncset.done $0x0  }
0x6e: {  	[sflag:s3] =	ssyncadd.s32 $0xFFFFFC00  }
0x6f: {  	[tilespmem:s2], [sflag:$0x1] =	stream.linear.gather [hbm4b:s4+s2], $0x2000, $0x38;
	[tilespmem:$0x3400] =	vst v63  }
0x70: {  	_ =	swait.ge [sflag:s3], $0x2000  }
0x71: {  	[sflag:s3] =	ssyncset.done $0x0  }
0x72: {  	[sflag:s3] =	ssyncadd.s32 $0xFFFFE000  }
0x73: {  	v3 =	vld [tilespmem:$0x180]  }
0x74: {  	v4 =	vld [tilespmem:$0x100]  }
0x75: {  	v5 =	vld [tilespmem:$0x0]  }
0x76: {  	v6 =	vld [tilespmem:$0x80]  }
0x77: {  	v7 =	vld [tilespmem:$0x200]  }
0x78: {  	v8 =	vld [tilespmem:$0x380]  }
0x79: {  	v9 =	vld [tilespmem:$0x280]  }
0x7a: {  	v10 =	vld [tilespmem:$0x300]  }
0x7b: {  	v11 =	vmax.f32 v5, v6  }
0x7c: {  	v11 =	vmax.f32 v11, v4  }
0x7d: {  	v11 =	vmax.f32 v11, v3  }
0x7e: {  	v11 =	vmax.f32 v11, v7  }
0x7f: {  	v11 =	vmax.f32 v11, v9  }
0x80: {  	v11 =	vmax.f32 v11, v10  }
0x81: {  	v11 =	vmax.f32 v11, v8  }
0x82: {  	v5 =	vsub.f32 v5, v11;
	v6 =	vsub.f32 v6, v11  }
0x83: {  	v4 =	vsub.f32 v4, v11;
	v7 =	vsub.f32 v7, v11  }
0x84: {  	v3 =	vsub.f32 v3, v11;
	v5 =	vmul.f32 $1.442695020e+00, v5;
	v6 =	vmul.f32 $1.442695020e+00, v6  }
0x85: {  	v4 =	vmul.f32 $1.442695020e+00, v4;
	v12 =	vmul.f32 $1.442695020e+00, v7;
	v7 =	vsub.f32 v9, v11  }
0x86: {  	v8 =	vsub.f32 v8, v11;
	v9 =	vsub.f32 v10, v11;
	(erf) = vpow2.f32 v5  }
0x87: {  	v5 =	vmul.f32 $1.442695020e+00, v7;
	(erf) = vpow2.f32 v6  }
0x88: {  	v9 =	vmul.f32 $1.442695020e+00, v9;
	v6 =	vmul.f32 $1.442695020e+00, v8;
	_ =	sdelay $0x1  }
0x89: {  	(erf) = vpow2.f32 v4  }
0x8a: {  	v3 =	vmul.f32 $1.442695020e+00, v3;
	_ =	sdelay $0x1  }
0x8b: {  	(erf) = vpow2.f32 v3  }
0x8c: {  	(erf) = vpow2.f32 v6  }
0x8d: {  	v6 =	vpop (erf);
	(erf) = vpow2.f32 v5  }
0x8e: {  	v7 =	vpop (erf);
	(erf) = vpow2.f32 v12  }
0x8f: {  	v3 =	vadd.f32 v7, v6;
	vm0 =	vgt.f32 v7, v6;
	vm1 =	vgt.f32 v7, $-1.000000000e+00  }
0x90: {  	vm2 =	vmneg vm0;
	v4 =	vnsel vm1, $0xBF800000, v7;
	v5 =	vsel vm0, $0x1, v0  }
0x91: {  	v4 =	vsel vm2, v4, v6;
	vm0 =	vmand vm2, vm1;
	v8 =	vsel vm2, v6, v7;
	v10 =	vpop (erf)  }
0x92: {  	v3 =	vadd.f32 v3, v10;
	vm1 =	vgt.f32 v10, v8;
	vm2 =	vgt.f32 v10, v4  }
0x93: {  	v11 =	vsel vm0, $0x1, v0;
	v4 =	vsel vm2, v10, v4;
	v12 =	vsel vm1, $0x2, v5  }
0x94: {  	v11 =	vsel vm2, $0x2, v11;
	v4 =	vsel vm1, v8, v4;
	v13 =	vpop (erf);
	(erf) = vpow2.f32 v9  }
0x95: {  	v5 =	vsel vm1, v5, v11;
	v8 =	vsel vm1, v10, v8;
	vm0 =	vgt.f32 v13, v4;
	v9 =	vpop (erf)  }
0x96: {  	vm1 =	vgt.f32 v13, v8;
	v4 =	vsel vm0, v13, v4;
	v5 =	vsel vm0, $0x3, v5;
	v14 =	vpop (erf)  }
0x97: {  	v11 =	vsel vm1, $0x3, v12;
	v4 =	vsel vm1, v8, v4;
	v8 =	vsel vm1, v13, v8;
	v15 =	vpop (erf)  }
0x98: {  	v3 =	vadd.f32 v3, v13;
	v5 =	vsel vm1, v12, v5;
	vm0 =	vgt.f32 v15, v4  }
0x99: {  	vm1 =	vgt.f32 v15, v8;
	v4 =	vsel vm0, v15, v4;
	v5 =	vsel vm0, $0x4, v5  }
0x9a: {  	v3 =	vadd.f32 v3, v15;
	v4 =	vsel vm1, v8, v4;
	v8 =	vsel vm1, v15, v8  }
0x9b: {  	v5 =	vsel vm1, v11, v5;
	v11 =	vsel vm1, $0x4, v11;
	vm0 =	vgt.f32 v14, v4  }
0x9c: {  	v3 =	vadd.f32 v3, v14;
	vm1 =	vgt.f32 v14, v8;
	v4 =	vsel vm0, v14, v4  }
0x9d: {  	v5 =	vsel vm0, $0x5, v5;
	v4 =	vsel vm1, v8, v4;
	v8 =	vsel vm1, v14, v8;
	v12 =	vpop (erf)  }
0x9e: {  	v5 =	vsel vm1, v11, v5;
	v3 =	vadd.f32 v3, v12;
	vm0 =	vgt.f32 v12, v4  }
0x9f: {  	vm2 =	vgt.f32 v12, v8;
	v4 =	vsel vm0, v12, v4;
	v5 =	vsel vm0, $0x6, v5  }
0xa0: {  	v3 =	vadd.f32 v3, v9;
	v4 =	vsel vm2, v8, v4;
	v8 =	vsel vm2, v12, v8  }
0xa1: {  	v11 =	vsel vm1, $0x5, v11;
	vm0 =	vgt.f32 v9, v8;
	vm1 =	vgt.f32 v9, v4  }
0xa2: {  	vm0 =	vmneg vm0;
	v4 =	vsel vm1, v9, v4;
	(erf) = vrcp.f32 v3  }
0xa3: {  	v3 =	vsel vm2, v11, v5;
	v16 =	vsel vm0, v4, v8;
	v8 =	vsel vm0, v8, v9  }
0xa4: {  	v4 =	vsel vm2, $0x6, v11;
	v3 =	vsel vm1, $0x7, v3;
	v5 =	vadd.f32 v16, v8  }
0xa5: {  	vm1 =	vmand vm2, vm0;
	v17 =	vsel vm0, v3, v4;
	v18 =	vnsel vm0, $0x7, v4  }
0xa6: {  	vm2 =	veq.s32 v18, $0x0;
	vm3 =	veq.s32 v17, $0x0;
	[tilespmem:$0x2880] =	vst v17;
	(erf) = vrcp.f32 v5  }
0xa7: {  	v3 =	vsel vm2, $0x3F800000, v1;
	v4 =	vsel vm3, $0x3F800000, v1;
	vm2 =	veq.s32 v18, $0x1;
	[tilespmem:$0x2800] =	vst v18  }
0xa8: {  	v3 =	vadd.f32 v4, v3;
	v4 =	vsel vm2, $0x3F800000, v1;
	vm2 =	veq.s32 v17, $0x1  }
0xa9: {  	vm3 =	veq.s32 v17, $0x3;
	v5 =	vsel vm2, $0x3F800000, v1;
	vm2 =	veq.s32 v18, $0x3  }
0xaa: {  	v11 =	vsel vm3, $0x3F800000, v1;
	v5 =	vadd.f32 v5, v4;
	v4 =	vsel vm2, $0x3F800000, v1  }
0xab: {  	vm3 =	veq.s32 v17, $0x4;
	vm2 =	veq.s32 v18, $0x4;
	v4 =	vadd.f32 v11, v4;
	v19 =	vpop (erf)  }
0xac: {  	v20 =	vmul.f32 v19, v6;
	v21 =	vmul.f32 v19, v9;
	v6 =	vsel vm2, $0x3F800000, v1  }
0xad: {  	v22 =	vmul.f32 v19, v15;
	v15 =	vmul.f32 v19, v12;
	v9 =	vsel vm3, $0x3F800000, v1  }
0xae: {  	v11 =	vmul.f32 v19, v10;
	v14 =	vmul.f32 v19, v14;
	v6 =	vadd.f32 v9, v6  }
0xaf: {  	v12 =	vmul.f32 v19, v7;
	v10 =	vmul.f32 v19, v13;
	vm2 =	veq.s32 v18, $0x5;
	v7 =	vpop (erf)  }
0xb0: {  	v13 =	vadd.f32 $0.0e+00, v14;
	v8 =	vmul.f32 v7, v8;
	v7 =	vmul.f32 v7, v16  }
0xb1: {  	vm4 =	veq.s32 v17, $0x6;
	vm5 =	veq.s32 v17, $0x7;
	vm3 =	veq.s32 v17, $0x5  }
0xb2: {  	vm6 =	veq.s32 v18, $0x2;
	v9 =	vsel vm4, $0x3F800000, v1;
	[tilespmem:$0x2000] =	vst v8;
	v8 =	vsel vm5, $0x3F800000, v1  }
0xb3: {  	vm4 =	veq.s32 v17, $0x2;
	[tilespmem:$0x2080] =	vst v7;
	v7 =	vsel vm6, $0x3F800000, v1  }
0xb4: {  	[hbm4b:s5+s2] =	stream.linear.scatter [tilespmem:s6], [sflag:$0x1], $0x800, $0x38;
	[tilespmem:$0x3400] =	vst v63  }
0xb5: {  	_ =	swait.ge [sflag:s3], $0x800  }
0xb6: {  	[sflag:s3] =	ssyncset.done $0x0  }
0xb7: {  	[sflag:s3] =	ssyncadd.s32 $0xFFFFF800  }
0xb8: {  	[hbm4b:s9+s2] =	stream.linear.scatter [tilespmem:s10], [sflag:$0x1], $0x800, $0x38;
	[tilespmem:$0x3400] =	vst v63  }
.Ltmp1:
0xb9: {  	_ = 	snop;
	(pc) =	sbr.rel @p0 .LBB2_1-.Ltmp1, $4  }
0xba: {  	_ =	swait.ge [sflag:s3], $0x800  }
0xbb: {  	v14 =	vadd.f32 $0.0e+00, v20;
	v17 =	vadd.f32 $0.0e+00, v21;
	[sflag:s3] =	ssyncset.done $0x0  }
0xbc: {  	v15 =	vadd.f32 $0.0e+00, v15;
	[sflag:s3] =	ssyncadd.s32 $0xFFFFF800  }
0xbd: {  	v16 =	vadd.f32 $0.0e+00, v22;
	[tilespmem:$0x3380] =	vst v17  }
.LBB2_2:
0xbe: {  	[tilespmem:$0x3300] =	vst v15  }
0xbf: {  	[tilespmem:$0x3280] =	vst v13  }
0xc0: {  	v0 =	vadd.f32 $0.0e+00, v11;
	[tilespmem:$0x3000] =	vst v14  }
0xc1: {  	v59 =	vadd.f32 $0.0e+00, v12;
	[tilespmem:$0x3200] =	vst v16  }
0xc2: {  	v10 =	vadd.f32 $0.0e+00, v10;
	[tilespmem:$0x3100] =	vst v0  }
0xc3: {  	[tilespmem:$0x3080] =	vst v59  }
0xc4: {  	[tilespmem:$0x3180] =	vst v10  }
0xc5: {  	[hbm4b:s11+s2] =	stream.linear.scatter [tilespmem:s8], [sflag:$0x1], $0x400, $0x38;
	[tilespmem:$0x3400] =	vst v63  }
0xc6: {  	_ =	swait.ge [sflag:s3], $0x400  }
0xc7: {  	[sflag:s3] =	ssyncset.done $0x0  }
0xc8: {  	[sflag:s3] =	ssyncadd.s32 $0xFFFFFC00  }
0xc9: {  	[tilespmem:$0x3000] =	vst v3  }
0xca: {  	v60 =	vsel vm2, $0x3F800000, v1;
	v61 =	vsel vm3, $0x3F800000, v1;
	[tilespmem:$0x3080] =	vst v5  }
0xcb: {  	v2 =	vsel vm0, $0x0, v2;
	v0 =	vadd.f32 v61, v60;
	[tilespmem:$0x3180] =	vst v4  }
0xcc: {  	v62 =	vsel vm1, $0x3F800000, v1;
	v2 =	vadd.f32 v8, v2;
	[tilespmem:$0x3200] =	vst v6  }
0xcd: {  	v63 =	vsel vm4, $0x3F800000, v1;
	v3 =	vadd.f32 v9, v62;
	[tilespmem:$0x3280] =	vst v0  }
0xce: {  	v0 =	vadd.f32 v63, v7;
	[tilespmem:$0x3380] =	vst v2  }
0xcf: {  	[tilespmem:$0x3300] =	vst v3  }
0xd0: {  	[tilespmem:$0x3100] =	vst v0  }
0xd1: {  	[hbm4b:s7+s2] =	stream.linear.scatter [tilespmem:s8], [sflag:$0x1], $0x400, $0x38;
	[tilespmem:$0x3400] =	vst v63  }
0xd2: {  	_ =	swait.ge [sflag:s3], $0x400  }
0xd3: {  	[sflag:s3] =	ssyncset.done $0x0  }
0xd4: {  	[sflag:s3] =	ssyncadd.s32 $0xFFFFFC00  }
0xd5: {  	_ =	sfence.sel $0x180000  }
0xd6: {  	[bflag:$0x0] =	sbarrier.arrive $0xFFFF  }
0xd7: {  	p0 =	sne.s32 s0, $0x0;
	_ =	strace $0x90000047  }
0xd8: {  	s0 =	sadd.s32 @!p0 $0x100000, s1;
	[bflag:$0x2] =	sbarrier.arrive $0xFFFF  }
0xd9: {  	[sflag:s0] =	ssyncadd.tile.s32 @!p0 $0x1;
	_ =	shalt  }
.Lfunc_end2:
_tile_overlayer_lowered:
.L_overlay_start_2:
0xda: {  	(tag) =	ssettag $0x2  }
0xdb: {  	s0 =	rddreg [dreg:$0x0];
	s2 =	stileid.u32  }
0xdc: {  	s1 =	rddreg [dreg:$0x1];
	p0 =	sne.s32 s2, $0x0  }
0xdd: {  	s3 =	rddreg [dreg:$0x2];
	[bflag:$0x3] =	sbarrier.arrive $0xFFFF;
	s2 =	simm.s32 @!p0 $0x1C01  }
0xde: {  	[timem:s3], [sflag:s2] =	dma.local @!p0 [hbm:s0], s1  }
0xdf: {  	s0 =	simm.s32 @!p0 $0x1  }
0xe0: {  	_ =	swait.ge @!p0 [sflag:s0], s1  }
0xe1: {  	s1 =	ssub.s32 @!p0 $0x0, s1;
	[sflag:s0] =	ssyncset.done @!p0 $0x0  }
0xe2: {  	[sflag:s0] =	ssyncadd.s32 @!p0 s1  }
0xe3: {  	[bflag:$0x3] =	sbarrier.arrive $0xFFFF  }
0xe4: {  	_ =	shalt  }

</sc_bundles>
